<compile_context>
chip_gen: v7x
topology: tpu7x:2x2x1
jax: 0.10.2.dev20260603
libtpu: 0.0.44.dev20260713+nightly
codegen_flags: <defaults>
</compile_context>

<pallas_src>
import functools

import jax
import jax.numpy as jnp
from jax import lax
from jax.experimental import pallas as pl
from jax.experimental.pallas import tpu as pltpu
from jax.experimental.pallas import tpu_sc as plsc

B = 4096
L = 50
LP = 56
D = 64
NR = 5
H = 2

BB = 128
NB = B // BB


NW = 32
RPW = (B * LP) // NW
CH = 896
NCH = RPW // CH
UPW = B // NW


def _sc_gather(i2e, hist_flat, u2e, nodes):
    mesh = plsc.VectorSubcoreMesh(core_axis_name="c", subcore_axis_name="s")

    @functools.partial(
        pl.kernel,
        mesh=mesh,
        compiler_params=pltpu.CompilerParams(use_tc_tiling_on_sc=False),
        out_type=(
            jax.ShapeDtypeStruct((B * LP, D), jnp.float32),
            jax.ShapeDtypeStruct((B, D), jnp.float32),
        ),
        scratch_types=[
            pltpu.VMEM((CH,), jnp.int32),
            pltpu.VMEM((CH, D), jnp.float32),
            pltpu.VMEM((CH,), jnp.int32),
            pltpu.VMEM((CH, D), jnp.float32),
            pltpu.VMEM((UPW,), jnp.int32),
            pltpu.VMEM((UPW, D), jnp.float32),
            pltpu.SemaphoreType.DMA,
            pltpu.SemaphoreType.DMA,
        ],
    )
    def k(i2e_h, hist_h, u2e_h, nodes_h, eui_h, urep_h,
          idx0, rows0, idx1, rows1, nidx, nrows, sem0, sem1):
        wid = lax.axis_index("s") * 2 + lax.axis_index("c")
        base = wid * RPW
        idx_v = (idx0, idx1)
        rows_v = (rows0, rows1)
        sems = (sem0, sem1)

        pltpu.sync_copy(hist_h.at[pl.ds(base, CH)], idx0)
        g_prev = pltpu.async_copy(i2e_h.at[idx0], rows0, sem0)
        for c in range(NCH):
            nxt = (c + 1) % 2
            cur = c % 2
            if c + 1 < NCH:
                off = base + (c + 1) * CH
                pltpu.sync_copy(hist_h.at[pl.ds(off, CH)], idx_v[nxt])
                g_next = pltpu.async_copy(i2e_h.at[idx_v[nxt]], rows_v[nxt],
                                          sems[nxt])
            g_prev.wait()
            pltpu.sync_copy(rows_v[cur], eui_h.at[pl.ds(base + c * CH, CH)])
            if c + 1 < NCH:
                g_prev = g_next

        ub = wid * UPW
        pltpu.sync_copy(nodes_h.at[pl.ds(ub, UPW)], nidx)
        pltpu.async_copy(u2e_h.at[nidx], nrows, sem0).wait()
        pltpu.sync_copy(nrows, urep_h.at[pl.ds(ub, UPW)])

    return k(i2e, hist_flat, u2e, nodes)



_SELU_L = 1.0507009873554805
_SELU_A = 1.6732632423543772


def _selu(x):
    return _SELU_L * jnp.where(x > 0, x, _SELU_A * (jnp.exp(x) - 1.0))


def _attention_body(eui_ref, urep_ref, rat_ref, r2e_ref, gW_ref, gb_ref,
                    l1W_ref, l1b_ref, a1W_ref, a1b_ref, a2W_ref, a2b_ref,
                    a3W_ref, a3b_ref, out_ref):
    bc3 = lambda v, shape, dims: lax.broadcast_in_dim(v, shape, dims)
    e_ui = eui_ref[...]
    e_r = rat_ref[...] @ r2e_ref[...]
    prod = e_ui * e_r
    xg = (e_ui @ gW_ref[0:D, :] + e_r @ gW_ref[D:2 * D, :]
          + prod @ gW_ref[2 * D:3 * D, :] + gb_ref[...])
    alpha = jax.nn.sigmoid(xg)
    o = alpha * e_ui + (1.0 - alpha) * e_r
    ui = urep_ref[...]

    validT = lax.broadcasted_iota(jnp.int32, (LP, BB), 0) < L

    feats = []
    for h in range(H):
        o = o / jnp.maximum(
            jnp.sqrt(jnp.sum(o * o, axis=-1, keepdims=True)), 1e-12)
        ui = ui / jnp.maximum(
            jnp.sqrt(jnp.sum(ui * ui, axis=-1, keepdims=True)), 1e-12)
        o3 = o.reshape(BB, LP, D)
        a1 = a1W_ref[h]
        t = (o @ a1[0:D, :]).reshape(BB, LP, D)
        tu = ui @ a1[D:2 * D, :]
        t = _selu(t + bc3(tu, (BB, LP, D), (0, 2))
                  + bc3(a1b_ref[h], (BB, LP, D), (2,)))
        t = _selu(t.reshape(BB * LP, D) @ a2W_ref[h] + a2b_ref[h:h + 1, :])
        t3 = t.reshape(BB, LP, D // 4)
        sc = (jnp.sum(t3 * bc3(a3W_ref[h], (BB, LP, D // 4), (2,)), axis=-1)
              + a3b_ref[h, 0])
        w = (jax.nn.sigmoid(
            jnp.sum(o3 * bc3(l1W_ref[h], (BB, LP, D), (2,)), axis=-1)
            + l1b_ref[h, 0]) + 1.0)

        scT = jnp.where(validT, sc.T, -1e30)
        am1 = w.T - 1.0
        z = am1 * scT
        ex = 1.0 / am1

        def p_of(tau):
            u = z - tau
            m = u > 0
            us = jnp.where(m, u, 1.0)
            return jnp.where(m, jnp.exp(ex * jnp.log(us)), 0.0)

        tau_hi = jnp.max(z, axis=0, keepdims=True)
        tau_lo = tau_hi - 1.0
        for _ in range(16):
            tau_m = 0.5 * (tau_lo + tau_hi)
            f = jnp.sum(p_of(tau_m), axis=0, keepdims=True) - 1.0
            gt = f > 0
            tau_lo = jnp.where(gt, tau_m, tau_lo)
            tau_hi = jnp.where(gt, tau_hi, tau_m)
        p = p_of(0.5 * (tau_lo + tau_hi))
        att = (p / jnp.maximum(jnp.sum(p, axis=0, keepdims=True), 1e-12)).T

        att3 = lax.broadcast_in_dim(att, (BB, LP, D), (0, 1))
        ui = jnp.sum(att3 * o3, axis=1)
        feats.append(ui)

    out_ref[...] = (feats[0] + feats[1]) * (1.0 / H)


def _attention(eui_flat, urep, ratings_p, r2e, gate_W, gate_b,
               lin1_W, lin1_b, att1_W, att1_b, att2_W, att2_b,
               att3_W, att3_b):
    full = lambda *shape: pl.BlockSpec(shape, lambda i: (0,) * len(shape))
    return pl.pallas_call(
        _attention_body,
        grid=(NB,),
        in_specs=[
            pl.BlockSpec((BB * LP, D), lambda i: (i, 0)),
            pl.BlockSpec((BB, D), lambda i: (i, 0)),
            pl.BlockSpec((BB * LP, 8), lambda i: (i, 0)),
            full(8, D),
            full(3 * D, D),
            full(1, D),
            full(H, D),
            full(H, 1),
            full(H, 2 * D, D),
            full(H, D),
            full(H, D, D // 4),
            full(H, D // 4),
            full(H, D // 4),
            full(H, 1),
        ],
        out_specs=pl.BlockSpec((BB, D), lambda i: (i, 0)),
        out_shape=jax.ShapeDtypeStruct((B, D), jnp.float32),
    )(eui_flat, urep, ratings_p, r2e, gate_W, gate_b, lin1_W, lin1_b,
      att1_W, att1_b, att2_W, att2_b, att3_W, att3_b)



def _mlp_body(ah_ref, sf_ref, bng_ref, bnb_ref, ipW_ref, ipb_ref,
              bn1g_ref, bn1b_ref, opW_ref, opb_ref, g1W_ref, g1b_ref,
              out_ref):
    def bn(x, g, b):
        mu = jnp.mean(x, axis=0, keepdims=True)
        var = jnp.mean((x - mu) ** 2, axis=0, keepdims=True)
        return (x - mu) / jnp.sqrt(var + 1e-5) * g + b

    nf = bn(ah_ref[...], bng_ref[...], bnb_ref[...])
    nf = _selu(nf @ ipW_ref[...] + ipb_ref[...])
    nf = bn(nf, bn1g_ref[...], bn1b_ref[...])
    nf = nf @ opW_ref[...] + opb_ref[...]
    sf = sf_ref[...]
    beta = jax.nn.sigmoid(
        sf @ g1W_ref[0:D, :] + nf @ g1W_ref[D:2 * D, :]
        + (sf * nf) @ g1W_ref[2 * D:3 * D, :] + g1b_ref[...])
    out_ref[...] = beta * sf + (1.0 - beta) * nf


def _mlp_tail(att_hist, self_f, bn_g, bn_b, ip_W, ip_b, bn1_g, bn1_b,
              op_W, op_b, gate1_W, gate1_b):
    return pl.pallas_call(
        _mlp_body,
        out_shape=jax.ShapeDtypeStruct((B, D), jnp.float32),
    )(att_hist, self_f, bn_g, bn_b, ip_W, ip_b, bn1_g, bn1_b,
      op_W, op_b, gate1_W, gate1_b)



def kernel(nodes, history, ratings, u2e, i2e, r2e, gate_W, gate_b,
           lin1_W, lin1_b, att1_W, att1_b, att2_W, att2_b, att3_W, att3_b,
           bn_g, bn_b, ip_W, ip_b, bn1_g, bn1_b, op_W, op_b,
           gate1_W, gate1_b):
    f32 = jnp.float32
    i32 = jnp.int32
    nodes = nodes.astype(i32)
    history = history.astype(i32)
    ratings = ratings.astype(i32)
    u2e = u2e.astype(f32)
    i2e = i2e.astype(f32)
    r2e = r2e.astype(f32)

    hist_p = jnp.pad(history, ((0, 0), (0, LP - L))).reshape(B * LP)
    oh = (ratings[..., None] == jnp.arange(NR, dtype=i32)).astype(f32)
    rat_p = jnp.pad(oh, ((0, 0), (0, LP - L), (0, 8 - NR))).reshape(B * LP, 8)
    r2e = jnp.pad(r2e, ((0, 8 - NR), (0, 0)))

    eui_flat, urep = _sc_gather(i2e, hist_p, u2e, nodes)

    att_hist = _attention(
        eui_flat, urep, rat_p, r2e,
        gate_W.astype(f32), gate_b.astype(f32).reshape(1, D),
        lin1_W.astype(f32).reshape(H, D), lin1_b.astype(f32).reshape(H, 1),
        att1_W.astype(f32), att1_b.astype(f32),
        att2_W.astype(f32), att2_b.astype(f32),
        att3_W.astype(f32).reshape(H, D // 4),
        att3_b.astype(f32).reshape(H, 1))

    return _mlp_tail(
        att_hist, urep,
        bn_g.astype(f32).reshape(1, D), bn_b.astype(f32).reshape(1, D),
        ip_W.astype(f32), ip_b.astype(f32).reshape(1, D),
        bn1_g.astype(f32).reshape(1, D), bn1_b.astype(f32).reshape(1, D),
        op_W.astype(f32), op_b.astype(f32).reshape(1, D),
        gate1_W.astype(f32), gate1_b.astype(f32).reshape(1, D))

# --- scband reference (transcript-rebuilt; emitter-appended) ---
"""Pipeline reference for scband-nega-79998060855418 (READ-ONLY COPY).

The authoritative reference and input builder live on the scoring server;
editing this copy changes nothing except your own understanding.
"""

import jax, jax.numpy as jnp
import numpy as np

B = 4096
L = 50
D = 64
NU = 100000
NI = 100000
NR = 5
H = 2


def _l2norm(x):
    n = jnp.sqrt(jnp.sum(x * x, axis=-1, keepdims=True))
    return x / jnp.maximum(n, 1e-12)


def _entmax_bisect(s, a, n_iter=30):
    # s: [B, L] scores, a: [B, L] per-element alpha in (1, 2)
    z = (a - 1.0) * s
    ex = 1.0 / (a - 1.0)

    def p_of(tau):
        u = z - tau
        m = u > 0
        us = jnp.where(m, u, 1.0)
        return jnp.where(m, jnp.power(us, ex), 0.0)

    tau_hi = jnp.max(z, axis=-1, keepdims=True)
    tau_lo = tau_hi - 1.0
    for _ in range(n_iter):
        tau_m = 0.5 * (tau_lo + tau_hi)
        f = jnp.sum(p_of(tau_m), axis=-1, keepdims=True) - 1.0
        tau_lo = jnp.where(f > 0, tau_m, tau_lo)
        tau_hi = jnp.where(f > 0, tau_hi, tau_m)
    p = p_of(0.5 * (tau_lo + tau_hi))
    return p / jnp.maximum(jnp.sum(p, axis=-1, keepdims=True), 1e-12)


def _bn(x, g, b):
    mu = jnp.mean(x, axis=0, keepdims=True)
    var = jnp.mean((x - mu) ** 2, axis=0, keepdims=True)
    return (x - mu) / jnp.sqrt(var + 1e-5) * g + b


def setup_inputs(seed: int = 0):
    key = jax.random.key(seed)
    ks = jax.random.split(key, 32)
    s = 0.05
    inp = {}
    inp["nodes"] = jax.random.randint(ks[0], (B,), 0, NU)
    inp["history"] = jax.random.randint(ks[1], (B, L), 0, NI)
    inp["ratings"] = jax.random.randint(ks[2], (B, L), 0, NR)
    inp["u2e"] = s * jax.random.normal(ks[3], (NU, D))
    inp["i2e"] = s * jax.random.normal(ks[4], (NI, D))
    inp["r2e"] = s * jax.random.normal(ks[5], (NR, D))
    inp["gate_W"] = s * jax.random.normal(ks[6], (3 * D, D))
    inp["gate_b"] = jnp.zeros((D,))
    inp["lin1_W"] = s * jax.random.normal(ks[7], (H, D, 1))
    inp["lin1_b"] = jnp.zeros((H, 1))
    inp["att1_W"] = s * jax.random.normal(ks[8], (H, 2 * D, D))
    inp["att1_b"] = jnp.zeros((H, D))
    inp["att2_W"] = s * jax.random.normal(ks[9], (H, D, D // 4))
    inp["att2_b"] = jnp.zeros((H, D // 4))
    inp["att3_W"] = s * jax.random.normal(ks[10], (H, D // 4, 1))
    inp["att3_b"] = jnp.zeros((H, 1))
    inp["bn_g"] = jnp.ones((D,))
    inp["bn_b"] = jnp.zeros((D,))
    inp["ip_W"] = s * jax.random.normal(ks[11], (D, D))
    inp["ip_b"] = jnp.zeros((D,))
    inp["bn1_g"] = jnp.ones((D,))
    inp["bn1_b"] = jnp.zeros((D,))
    inp["op_W"] = s * jax.random.normal(ks[12], (D, D))
    inp["op_b"] = jnp.zeros((D,))
    inp["gate1_W"] = s * jax.random.normal(ks[13], (3 * D, D))
    inp["gate1_b"] = jnp.zeros((D,))
    return inp


def reference(nodes, history, ratings, u2e, i2e, r2e, gate_W, gate_b, lin1_W, lin1_b,
              att1_W, att1_b, att2_W, att2_b, att3_W, att3_b,
              bn_g, bn_b, ip_W, ip_b, bn1_g, bn1_b, op_W, op_b, gate1_W, gate1_b):
    # UI_Aggregator (user=True) forward, vectorized over the batch of nodes
    e_ui = jnp.take(i2e, history, axis=0)      # [B, L, D] item embeddings of history
    ui_rep = jnp.take(u2e, nodes, axis=0)      # [B, D]   user self embedding
    e_r = jnp.take(r2e, ratings, axis=0)       # [B, L, D] rating embeddings
    x = jnp.concatenate([e_ui, e_r, e_ui * e_r], axis=-1)
    alpha = jax.nn.sigmoid(x @ gate_W + gate_b)
    o = alpha * e_ui + (1.0 - alpha) * e_r     # gated o_history
    feats = []
    for h in range(H):
        o = _l2norm(o)
        ui_rep = _l2norm(ui_rep)
        uv = jnp.broadcast_to(ui_rep[:, None, :], o.shape)
        xc = jnp.concatenate([o, uv], axis=-1)
        w = jax.nn.sigmoid(o @ lin1_W[h] + lin1_b[h]) + 1.0   # per-element entmax alpha
        t = jax.nn.selu(xc @ att1_W[h] + att1_b[h])
        t = jax.nn.selu(t @ att2_W[h] + att2_b[h])
        sc = (t @ att3_W[h] + att3_b[h])[..., 0]              # [B, L]
        att = _entmax_bisect(sc, w[..., 0])                   # [B, L]
        ui_rep = jnp.einsum('bl,bld->bd', att, o)
        feats.append(ui_rep)
    att_hist = sum(feats) / float(H)
    # GAT_MLP (BatchNorm in training mode, dropout as identity/eval)
    nf = _bn(att_hist, bn_g, bn_b)
    nf = jax.nn.selu(nf @ ip_W + ip_b)
    nf = _bn(nf, bn1_g, bn1_b)
    nf = nf @ op_W + op_b
    self_f = jnp.take(u2e, nodes, axis=0)
    comb = jnp.concatenate([self_f, nf, self_f * nf], axis=-1)
    beta = jax.nn.sigmoid(comb @ gate1_W + gate1_b)
    return beta * self_f + (1.0 - beta) * nf

if __name__ == "__main__":
    import jax
    _d = setup_inputs()
    print(jax.jit(kernel)(*tuple(_d.values())))

</pallas_src>

<mosaic_0001>
#map = affine_map<(d0, d1) -> (0, 0)>
#map1 = affine_map<(d0, d1) -> (0)>
module attributes {stable_mosaic.version = 14 : i64} {
  func.func @k(%arg0: i32, %arg1: i32, %arg2: memref<100000x64xf32, #tpu.memory_space<hbm>>, %arg3: memref<229376xi32, #tpu.memory_space<hbm>>, %arg4: memref<100000x64xf32, #tpu.memory_space<hbm>>, %arg5: memref<4096xi32, #tpu.memory_space<hbm>>, %arg6: memref<229376x64xf32, #tpu.memory_space<hbm>>, %arg7: memref<4096x64xf32, #tpu.memory_space<hbm>>, %arg8: memref<896xi32, #tpu.memory_space<vmem>>, %arg9: memref<896x64xf32, #tpu.memory_space<vmem>>, %arg10: memref<896xi32, #tpu.memory_space<vmem>>, %arg11: memref<896x64xf32, #tpu.memory_space<vmem>>, %arg12: memref<128xi32, #tpu.memory_space<vmem>>, %arg13: memref<128x64xf32, #tpu.memory_space<vmem>>, %arg14: memref<!tpu.dma_semaphore, #tpu.memory_space<semaphore_mem>>, %arg15: memref<!tpu.dma_semaphore, #tpu.memory_space<semaphore_mem>>) attributes {dimension_semantics = [#tpu.dimension_semantics<core_parallel>, #tpu.dimension_semantics<subcore_parallel>], iteration_bounds = array<i64: 2, 16>, scalar_prefetch = 0 : i64, scratch_operands = 8 : i64, tpu.core_type = #tpu.core_type<sc_vector_subcore>, window_params = [{transform_indices = #map}, {transform_indices = #map1}, {transform_indices = #map}, {transform_indices = #map1}, {transform_indices = #map}, {transform_indices = #map}]} {
    %mul3A = arith.constant 2 : i32
    %mul3A_0 = arith.muli %arg1, %mul3A : i32
    %add3A = arith.addi %mul3A_0, %arg0 : i32
    %mul3A_1 = arith.constant 7168 : i32
    %mul3A_2 = arith.muli %add3A, %mul3A_1 : i32
    "tpu.region"() ({
      %run_scoped3A = tpu.sem_alloc : memref<!tpu.dma_semaphore, #tpu.memory_space<semaphore_mem>>
      %dma_start3A_87 = tpu.memref_slice %arg3[%mul3A_2] : memref<229376xi32, #tpu.memory_space<hbm>> -> memref<896xi32, #tpu.memory_space<hbm>>
      %dma_start3A_88 = tpu.memref_slice %arg3[%mul3A_2] : memref<229376xi32, #tpu.memory_space<hbm>> -> memref<896xi32, #tpu.memory_space<hbm>>
      tpu.enqueue_dma source(%dma_start3A_88 : memref<896xi32, #tpu.memory_space<hbm>>) target(%arg8 : memref<896xi32, #tpu.memory_space<vmem>>) target_semaphore(%run_scoped3A : memref<!tpu.dma_semaphore, #tpu.memory_space<semaphore_mem>>)
      %dma_wait3A_89 = tpu.memref_slice %arg3[%mul3A_2] : memref<229376xi32, #tpu.memory_space<hbm>> -> memref<896xi32, #tpu.memory_space<hbm>>
      %dma_wait3A_90 = tpu.memref_slice %arg3[%mul3A_2] : memref<229376xi32, #tpu.memory_space<hbm>> -> memref<896xi32, #tpu.memory_space<hbm>>
      tpu.wait_dma2 semaphore(%run_scoped3A : memref<!tpu.dma_semaphore, #tpu.memory_space<semaphore_mem>>) src(%dma_wait3A_90 : memref<896xi32, #tpu.memory_space<hbm>>) dst(%arg8 : memref<896xi32, #tpu.memory_space<vmem>>)
      tpu.yield
    }) : () -> ()
    %dma_start3A = arith.constant 0 : i32
    %dma_start3A_3 = arith.constant 0 : i32
    %dma_start3A_4 = tpu.memref_slice %arg2[%dma_start3A, %dma_start3A_3] : memref<100000x64xf32, #tpu.memory_space<hbm>> -> memref<100000x64xf32, #tpu.memory_space<hbm>>
    tpu.enqueue_indirect_dma source(%dma_start3A_4 : memref<100000x64xf32, #tpu.memory_space<hbm>>) target(%arg9 : memref<896x64xf32, #tpu.memory_space<vmem>>) offsets(%arg8 : memref<896xi32, #tpu.memory_space<vmem>>) semaphore(%arg14 : memref<!tpu.dma_semaphore, #tpu.memory_space<semaphore_mem>>)
    %add3A_5 = arith.constant 896 : i32
    %add3A_6 = arith.addi %mul3A_2, %add3A_5 : i32
    "tpu.region"() ({
      %run_scoped3A = tpu.sem_alloc : memref<!tpu.dma_semaphore, #tpu.memory_space<semaphore_mem>>
      %dma_start3A_87 = tpu.memref_slice %arg3[%add3A_6] : memref<229376xi32, #tpu.memory_space<hbm>> -> memref<896xi32, #tpu.memory_space<hbm>>
      %dma_start3A_88 = tpu.memref_slice %arg3[%add3A_6] : memref<229376xi32, #tpu.memory_space<hbm>> -> memref<896xi32, #tpu.memory_space<hbm>>
      tpu.enqueue_dma source(%dma_start3A_88 : memref<896xi32, #tpu.memory_space<hbm>>) target(%arg10 : memref<896xi32, #tpu.memory_space<vmem>>) target_semaphore(%run_scoped3A : memref<!tpu.dma_semaphore, #tpu.memory_space<semaphore_mem>>)
      %dma_wait3A_89 = tpu.memref_slice %arg3[%add3A_6] : memref<229376xi32, #tpu.memory_space<hbm>> -> memref<896xi32, #tpu.memory_space<hbm>>
      %dma_wait3A_90 = tpu.memref_slice %arg3[%add3A_6] : memref<229376xi32, #tpu.memory_space<hbm>> -> memref<896xi32, #tpu.memory_space<hbm>>
      tpu.wait_dma2 semaphore(%run_scoped3A : memref<!tpu.dma_semaphore, #tpu.memory_space<semaphore_mem>>) src(%dma_wait3A_90 : memref<896xi32, #tpu.memory_space<hbm>>) dst(%arg10 : memref<896xi32, #tpu.memory_space<vmem>>)
      tpu.yield
    }) : () -> ()
    %dma_start3A_7 = arith.constant 0 : i32
    %dma_start3A_8 = arith.constant 0 : i32
    %dma_start3A_9 = tpu.memref_slice %arg2[%dma_start3A_7, %dma_start3A_8] : memref<100000x64xf32, #tpu.memory_space<hbm>> -> memref<100000x64xf32, #tpu.memory_space<hbm>>
    tpu.enqueue_indirect_dma source(%dma_start3A_9 : memref<100000x64xf32, #tpu.memory_space<hbm>>) target(%arg11 : memref<896x64xf32, #tpu.memory_space<vmem>>) offsets(%arg10 : memref<896xi32, #tpu.memory_space<vmem>>) semaphore(%arg15 : memref<!tpu.dma_semaphore, #tpu.memory_space<semaphore_mem>>)
    %dma_wait3A = arith.constant 0 : i32
    %dma_wait3A_10 = arith.constant 0 : i32
    %dma_wait3A_11 = tpu.memref_slice %arg2[%dma_wait3A, %dma_wait3A_10] : memref<100000x64xf32, #tpu.memory_space<hbm>> -> memref<100000x64xf32, #tpu.memory_space<hbm>>
    tpu.wait_indirect_dma semaphore(%arg14 : memref<!tpu.dma_semaphore, #tpu.memory_space<semaphore_mem>>) src(%dma_wait3A_11 : memref<100000x64xf32, #tpu.memory_space<hbm>>) dst(%arg9 : memref<896x64xf32, #tpu.memory_space<vmem>>)
    %add3A_12 = arith.constant 0 : i32
    %add3A_13 = arith.addi %mul3A_2, %add3A_12 : i32
    "tpu.region"() ({
      %run_scoped3A = tpu.sem_alloc : memref<!tpu.dma_semaphore, #tpu.memory_space<semaphore_mem>>
      %dma_start3A_87 = arith.constant 0 : i32
      %dma_start3A_88 = tpu.memref_slice %arg6[%add3A_13, %dma_start3A_87] : memref<229376x64xf32, #tpu.memory_space<hbm>> -> memref<896x64xf32, #tpu.memory_space<hbm>>
      %dma_start3A_89 = arith.constant 0 : i32
      %dma_start3A_90 = tpu.memref_slice %arg6[%add3A_13, %dma_start3A_89] : memref<229376x64xf32, #tpu.memory_space<hbm>> -> memref<896x64xf32, #tpu.memory_space<hbm>>
      tpu.enqueue_dma source(%arg9 : memref<896x64xf32, #tpu.memory_space<vmem>>) target(%dma_start3A_90 : memref<896x64xf32, #tpu.memory_space<hbm>>) target_semaphore(%run_scoped3A : memref<!tpu.dma_semaphore, #tpu.memory_space<semaphore_mem>>)
      %dma_wait3A_91 = arith.constant 0 : i32
      %dma_wait3A_92 = tpu.memref_slice %arg6[%add3A_13, %dma_wait3A_91] : memref<229376x64xf32, #tpu.memory_space<hbm>> -> memref<896x64xf32, #tpu.memory_space<hbm>>
      %dma_wait3A_93 = arith.constant 0 : i32
      %dma_wait3A_94 = tpu.memref_slice %arg6[%add3A_13, %dma_wait3A_93] : memref<229376x64xf32, #tpu.memory_space<hbm>> -> memref<896x64xf32, #tpu.memory_space<hbm>>
      tpu.wait_dma2 semaphore(%run_scoped3A : memref<!tpu.dma_semaphore, #tpu.memory_space<semaphore_mem>>) src(%arg9 : memref<896x64xf32, #tpu.memory_space<vmem>>) dst(%dma_wait3A_94 : memref<896x64xf32, #tpu.memory_space<hbm>>)
      tpu.yield
    }) : () -> ()
    %add3A_14 = arith.constant 1792 : i32
    %add3A_15 = arith.addi %mul3A_2, %add3A_14 : i32
    "tpu.region"() ({
      %run_scoped3A = tpu.sem_alloc : memref<!tpu.dma_semaphore, #tpu.memory_space<semaphore_mem>>
      %dma_start3A_87 = tpu.memref_slice %arg3[%add3A_15] : memref<229376xi32, #tpu.memory_space<hbm>> -> memref<896xi32, #tpu.memory_space<hbm>>
      %dma_start3A_88 = tpu.memref_slice %arg3[%add3A_15] : memref<229376xi32, #tpu.memory_space<hbm>> -> memref<896xi32, #tpu.memory_space<hbm>>
      tpu.enqueue_dma source(%dma_start3A_88 : memref<896xi32, #tpu.memory_space<hbm>>) target(%arg8 : memref<896xi32, #tpu.memory_space<vmem>>) target_semaphore(%run_scoped3A : memref<!tpu.dma_semaphore, #tpu.memory_space<semaphore_mem>>)
      %dma_wait3A_89 = tpu.memref_slice %arg3[%add3A_15] : memref<229376xi32, #tpu.memory_space<hbm>> -> memref<896xi32, #tpu.memory_space<hbm>>
      %dma_wait3A_90 = tpu.memref_slice %arg3[%add3A_15] : memref<229376xi32, #tpu.memory_space<hbm>> -> memref<896xi32, #tpu.memory_space<hbm>>
      tpu.wait_dma2 semaphore(%run_scoped3A : memref<!tpu.dma_semaphore, #tpu.memory_space<semaphore_mem>>) src(%dma_wait3A_90 : memref<896xi32, #tpu.memory_space<hbm>>) dst(%arg8 : memref<896xi32, #tpu.memory_space<vmem>>)
      tpu.yield
    }) : () -> ()
    %dma_start3A_16 = arith.constant 0 : i32
    %dma_start3A_17 = arith.constant 0 : i32
    %dma_start3A_18 = tpu.memref_slice %arg2[%dma_start3A_16, %dma_start3A_17] : memref<100000x64xf32, #tpu.memory_space<hbm>> -> memref<100000x64xf32, #tpu.memory_space<hbm>>
    tpu.enqueue_indirect_dma source(%dma_start3A_18 : memref<100000x64xf32, #tpu.memory_space<hbm>>) target(%arg9 : memref<896x64xf32, #tpu.memory_space<vmem>>) offsets(%arg8 : memref<896xi32, #tpu.memory_space<vmem>>) semaphore(%arg14 : memref<!tpu.dma_semaphore, #tpu.memory_space<semaphore_mem>>)
    %dma_wait3A_19 = arith.constant 0 : i32
    %dma_wait3A_20 = arith.constant 0 : i32
    %dma_wait3A_21 = tpu.memref_slice %arg2[%dma_wait3A_19, %dma_wait3A_20] : memref<100000x64xf32, #tpu.memory_space<hbm>> -> memref<100000x64xf32, #tpu.memory_space<hbm>>
    tpu.wait_indirect_dma semaphore(%arg15 : memref<!tpu.dma_semaphore, #tpu.memory_space<semaphore_mem>>) src(%dma_wait3A_21 : memref<100000x64xf32, #tpu.memory_space<hbm>>) dst(%arg11 : memref<896x64xf32, #tpu.memory_space<vmem>>)
    %add3A_22 = arith.constant 896 : i32
    %add3A_23 = arith.addi %mul3A_2, %add3A_22 : i32
    "tpu.region"() ({
      %run_scoped3A = tpu.sem_alloc : memref<!tpu.dma_semaphore, #tpu.memory_space<semaphore_mem>>
      %dma_start3A_87 = arith.constant 0 : i32
      %dma_start3A_88 = tpu.memref_slice %arg6[%add3A_23, %dma_start3A_87] : memref<229376x64xf32, #tpu.memory_space<hbm>> -> memref<896x64xf32, #tpu.memory_space<hbm>>
      %dma_start3A_89 = arith.constant 0 : i32
      %dma_start3A_90 = tpu.memref_slice %arg6[%add3A_23, %dma_start3A_89] : memref<229376x64xf32, #tpu.memory_space<hbm>> -> memref<896x64xf32, #tpu.memory_space<hbm>>
      tpu.enqueue_dma source(%arg11 : memref<896x64xf32, #tpu.memory_space<vmem>>) target(%dma_start3A_90 : memref<896x64xf32, #tpu.memory_space<hbm>>) target_semaphore(%run_scoped3A : memref<!tpu.dma_semaphore, #tpu.memory_space<semaphore_mem>>)
      %dma_wait3A_91 = arith.constant 0 : i32
      %dma_wait3A_92 = tpu.memref_slice %arg6[%add3A_23, %dma_wait3A_91] : memref<229376x64xf32, #tpu.memory_space<hbm>> -> memref<896x64xf32, #tpu.memory_space<hbm>>
      %dma_wait3A_93 = arith.constant 0 : i32
      %dma_wait3A_94 = tpu.memref_slice %arg6[%add3A_23, %dma_wait3A_93] : memref<229376x64xf32, #tpu.memory_space<hbm>> -> memref<896x64xf32, #tpu.memory_space<hbm>>
      tpu.wait_dma2 semaphore(%run_scoped3A : memref<!tpu.dma_semaphore, #tpu.memory_space<semaphore_mem>>) src(%arg11 : memref<896x64xf32, #tpu.memory_space<vmem>>) dst(%dma_wait3A_94 : memref<896x64xf32, #tpu.memory_space<hbm>>)
      tpu.yield
    }) : () -> ()
    %add3A_24 = arith.constant 2688 : i32
    %add3A_25 = arith.addi %mul3A_2, %add3A_24 : i32
    "tpu.region"() ({
      %run_scoped3A = tpu.sem_alloc : memref<!tpu.dma_semaphore, #tpu.memory_space<semaphore_mem>>
      %dma_start3A_87 = tpu.memref_slice %arg3[%add3A_25] : memref<229376xi32, #tpu.memory_space<hbm>> -> memref<896xi32, #tpu.memory_space<hbm>>
      %dma_start3A_88 = tpu.memref_slice %arg3[%add3A_25] : memref<229376xi32, #tpu.memory_space<hbm>> -> memref<896xi32, #tpu.memory_space<hbm>>
      tpu.enqueue_dma source(%dma_start3A_88 : memref<896xi32, #tpu.memory_space<hbm>>) target(%arg10 : memref<896xi32, #tpu.memory_space<vmem>>) target_semaphore(%run_scoped3A : memref<!tpu.dma_semaphore, #tpu.memory_space<semaphore_mem>>)
      %dma_wait3A_89 = tpu.memref_slice %arg3[%add3A_25] : memref<229376xi32, #tpu.memory_space<hbm>> -> memref<896xi32, #tpu.memory_space<hbm>>
      %dma_wait3A_90 = tpu.memref_slice %arg3[%add3A_25] : memref<229376xi32, #tpu.memory_space<hbm>> -> memref<896xi32, #tpu.memory_space<hbm>>
      tpu.wait_dma2 semaphore(%run_scoped3A : memref<!tpu.dma_semaphore, #tpu.memory_space<semaphore_mem>>) src(%dma_wait3A_90 : memref<896xi32, #tpu.memory_space<hbm>>) dst(%arg10 : memref<896xi32, #tpu.memory_space<vmem>>)
      tpu.yield
    }) : () -> ()
    %dma_start3A_26 = arith.constant 0 : i32
    %dma_start3A_27 = arith.constant 0 : i32
    %dma_start3A_28 = tpu.memref_slice %arg2[%dma_start3A_26, %dma_start3A_27] : memref<100000x64xf32, #tpu.memory_space<hbm>> -> memref<100000x64xf32, #tpu.memory_space<hbm>>
    tpu.enqueue_indirect_dma source(%dma_start3A_28 : memref<100000x64xf32, #tpu.memory_space<hbm>>) target(%arg11 : memref<896x64xf32, #tpu.memory_space<vmem>>) offsets(%arg10 : memref<896xi32, #tpu.memory_space<vmem>>) semaphore(%arg15 : memref<!tpu.dma_semaphore, #tpu.memory_space<semaphore_mem>>)
    %dma_wait3A_29 = arith.constant 0 : i32
    %dma_wait3A_30 = arith.constant 0 : i32
    %dma_wait3A_31 = tpu.memref_slice %arg2[%dma_wait3A_29, %dma_wait3A_30] : memref<100000x64xf32, #tpu.memory_space<hbm>> -> memref<100000x64xf32, #tpu.memory_space<hbm>>
    tpu.wait_indirect_dma semaphore(%arg14 : memref<!tpu.dma_semaphore, #tpu.memory_space<semaphore_mem>>) src(%dma_wait3A_31 : memref<100000x64xf32, #tpu.memory_space<hbm>>) dst(%arg9 : memref<896x64xf32, #tpu.memory_space<vmem>>)
    %add3A_32 = arith.constant 1792 : i32
    %add3A_33 = arith.addi %mul3A_2, %add3A_32 : i32
    "tpu.region"() ({
      %run_scoped3A = tpu.sem_alloc : memref<!tpu.dma_semaphore, #tpu.memory_space<semaphore_mem>>
      %dma_start3A_87 = arith.constant 0 : i32
      %dma_start3A_88 = tpu.memref_slice %arg6[%add3A_33, %dma_start3A_87] : memref<229376x64xf32, #tpu.memory_space<hbm>> -> memref<896x64xf32, #tpu.memory_space<hbm>>
      %dma_start3A_89 = arith.constant 0 : i32
      %dma_start3A_90 = tpu.memref_slice %arg6[%add3A_33, %dma_start3A_89] : memref<229376x64xf32, #tpu.memory_space<hbm>> -> memref<896x64xf32, #tpu.memory_space<hbm>>
      tpu.enqueue_dma source(%arg9 : memref<896x64xf32, #tpu.memory_space<vmem>>) target(%dma_start3A_90 : memref<896x64xf32, #tpu.memory_space<hbm>>) target_semaphore(%run_scoped3A : memref<!tpu.dma_semaphore, #tpu.memory_space<semaphore_mem>>)
      %dma_wait3A_91 = arith.constant 0 : i32
      %dma_wait3A_92 = tpu.memref_slice %arg6[%add3A_33, %dma_wait3A_91] : memref<229376x64xf32, #tpu.memory_space<hbm>> -> memref<896x64xf32, #tpu.memory_space<hbm>>
      %dma_wait3A_93 = arith.constant 0 : i32
      %dma_wait3A_94 = tpu.memref_slice %arg6[%add3A_33, %dma_wait3A_93] : memref<229376x64xf32, #tpu.memory_space<hbm>> -> memref<896x64xf32, #tpu.memory_space<hbm>>
      tpu.wait_dma2 semaphore(%run_scoped3A : memref<!tpu.dma_semaphore, #tpu.memory_space<semaphore_mem>>) src(%arg9 : memref<896x64xf32, #tpu.memory_space<vmem>>) dst(%dma_wait3A_94 : memref<896x64xf32, #tpu.memory_space<hbm>>)
      tpu.yield
    }) : () -> ()
    %add3A_34 = arith.constant 3584 : i32
    %add3A_35 = arith.addi %mul3A_2, %add3A_34 : i32
    "tpu.region"() ({
      %run_scoped3A = tpu.sem_alloc : memref<!tpu.dma_semaphore, #tpu.memory_space<semaphore_mem>>
      %dma_start3A_87 = tpu.memref_slice %arg3[%add3A_35] : memref<229376xi32, #tpu.memory_space<hbm>> -> memref<896xi32, #tpu.memory_space<hbm>>
      %dma_start3A_88 = tpu.memref_slice %arg3[%add3A_35] : memref<229376xi32, #tpu.memory_space<hbm>> -> memref<896xi32, #tpu.memory_space<hbm>>
      tpu.enqueue_dma source(%dma_start3A_88 : memref<896xi32, #tpu.memory_space<hbm>>) target(%arg8 : memref<896xi32, #tpu.memory_space<vmem>>) target_semaphore(%run_scoped3A : memref<!tpu.dma_semaphore, #tpu.memory_space<semaphore_mem>>)
      %dma_wait3A_89 = tpu.memref_slice %arg3[%add3A_35] : memref<229376xi32, #tpu.memory_space<hbm>> -> memref<896xi32, #tpu.memory_space<hbm>>
      %dma_wait3A_90 = tpu.memref_slice %arg3[%add3A_35] : memref<229376xi32, #tpu.memory_space<hbm>> -> memref<896xi32, #tpu.memory_space<hbm>>
      tpu.wait_dma2 semaphore(%run_scoped3A : memref<!tpu.dma_semaphore, #tpu.memory_space<semaphore_mem>>) src(%dma_wait3A_90 : memref<896xi32, #tpu.memory_space<hbm>>) dst(%arg8 : memref<896xi32, #tpu.memory_space<vmem>>)
      tpu.yield
    }) : () -> ()
    %dma_start3A_36 = arith.constant 0 : i32
    %dma_start3A_37 = arith.constant 0 : i32
    %dma_start3A_38 = tpu.memref_slice %arg2[%dma_start3A_36, %dma_start3A_37] : memref<100000x64xf32, #tpu.memory_space<hbm>> -> memref<100000x64xf32, #tpu.memory_space<hbm>>
    tpu.enqueue_indirect_dma source(%dma_start3A_38 : memref<100000x64xf32, #tpu.memory_space<hbm>>) target(%arg9 : memref<896x64xf32, #tpu.memory_space<vmem>>) offsets(%arg8 : memref<896xi32, #tpu.memory_space<vmem>>) semaphore(%arg14 : memref<!tpu.dma_semaphore, #tpu.memory_space<semaphore_mem>>)
    %dma_wait3A_39 = arith.constant 0 : i32
    %dma_wait3A_40 = arith.constant 0 : i32
    %dma_wait3A_41 = tpu.memref_slice %arg2[%dma_wait3A_39, %dma_wait3A_40] : memref<100000x64xf32, #tpu.memory_space<hbm>> -> memref<100000x64xf32, #tpu.memory_space<hbm>>
    tpu.wait_indirect_dma semaphore(%arg15 : memref<!tpu.dma_semaphore, #tpu.memory_space<semaphore_mem>>) src(%dma_wait3A_41 : memref<100000x64xf32, #tpu.memory_space<hbm>>) dst(%arg11 : memref<896x64xf32, #tpu.memory_space<vmem>>)
    %add3A_42 = arith.constant 2688 : i32
    %add3A_43 = arith.addi %mul3A_2, %add3A_42 : i32
    "tpu.region"() ({
      %run_scoped3A = tpu.sem_alloc : memref<!tpu.dma_semaphore, #tpu.memory_space<semaphore_mem>>
      %dma_start3A_87 = arith.constant 0 : i32
      %dma_start3A_88 = tpu.memref_slice %arg6[%add3A_43, %dma_start3A_87] : memref<229376x64xf32, #tpu.memory_space<hbm>> -> memref<896x64xf32, #tpu.memory_space<hbm>>
      %dma_start3A_89 = arith.constant 0 : i32
      %dma_start3A_90 = tpu.memref_slice %arg6[%add3A_43, %dma_start3A_89] : memref<229376x64xf32, #tpu.memory_space<hbm>> -> memref<896x64xf32, #tpu.memory_space<hbm>>
      tpu.enqueue_dma source(%arg11 : memref<896x64xf32, #tpu.memory_space<vmem>>) target(%dma_start3A_90 : memref<896x64xf32, #tpu.memory_space<hbm>>) target_semaphore(%run_scoped3A : memref<!tpu.dma_semaphore, #tpu.memory_space<semaphore_mem>>)
      %dma_wait3A_91 = arith.constant 0 : i32
      %dma_wait3A_92 = tpu.memref_slice %arg6[%add3A_43, %dma_wait3A_91] : memref<229376x64xf32, #tpu.memory_space<hbm>> -> memref<896x64xf32, #tpu.memory_space<hbm>>
      %dma_wait3A_93 = arith.constant 0 : i32
      %dma_wait3A_94 = tpu.memref_slice %arg6[%add3A_43, %dma_wait3A_93] : memref<229376x64xf32, #tpu.memory_space<hbm>> -> memref<896x64xf32, #tpu.memory_space<hbm>>
      tpu.wait_dma2 semaphore(%run_scoped3A : memref<!tpu.dma_semaphore, #tpu.memory_space<semaphore_mem>>) src(%arg11 : memref<896x64xf32, #tpu.memory_space<vmem>>) dst(%dma_wait3A_94 : memref<896x64xf32, #tpu.memory_space<hbm>>)
      tpu.yield
    }) : () -> ()
    %add3A_44 = arith.constant 4480 : i32
    %add3A_45 = arith.addi %mul3A_2, %add3A_44 : i32
    "tpu.region"() ({
      %run_scoped3A = tpu.sem_alloc : memref<!tpu.dma_semaphore, #tpu.memory_space<semaphore_mem>>
      %dma_start3A_87 = tpu.memref_slice %arg3[%add3A_45] : memref<229376xi32, #tpu.memory_space<hbm>> -> memref<896xi32, #tpu.memory_space<hbm>>
      %dma_start3A_88 = tpu.memref_slice %arg3[%add3A_45] : memref<229376xi32, #tpu.memory_space<hbm>> -> memref<896xi32, #tpu.memory_space<hbm>>
      tpu.enqueue_dma source(%dma_start3A_88 : memref<896xi32, #tpu.memory_space<hbm>>) target(%arg10 : memref<896xi32, #tpu.memory_space<vmem>>) target_semaphore(%run_scoped3A : memref<!tpu.dma_semaphore, #tpu.memory_space<semaphore_mem>>)
      %dma_wait3A_89 = tpu.memref_slice %arg3[%add3A_45] : memref<229376xi32, #tpu.memory_space<hbm>> -> memref<896xi32, #tpu.memory_space<hbm>>
      %dma_wait3A_90 = tpu.memref_slice %arg3[%add3A_45] : memref<229376xi32, #tpu.memory_space<hbm>> -> memref<896xi32, #tpu.memory_space<hbm>>
      tpu.wait_dma2 semaphore(%run_scoped3A : memref<!tpu.dma_semaphore, #tpu.memory_space<semaphore_mem>>) src(%dma_wait3A_90 : memref<896xi32, #tpu.memory_space<hbm>>) dst(%arg10 : memref<896xi32, #tpu.memory_space<vmem>>)
      tpu.yield
    }) : () -> ()
    %dma_start3A_46 = arith.constant 0 : i32
    %dma_start3A_47 = arith.constant 0 : i32
    %dma_start3A_48 = tpu.memref_slice %arg2[%dma_start3A_46, %dma_start3A_47] : memref<100000x64xf32, #tpu.memory_space<hbm>> -> memref<100000x64xf32, #tpu.memory_space<hbm>>
    tpu.enqueue_indirect_dma source(%dma_start3A_48 : memref<100000x64xf32, #tpu.memory_space<hbm>>) target(%arg11 : memref<896x64xf32, #tpu.memory_space<vmem>>) offsets(%arg10 : memref<896xi32, #tpu.memory_space<vmem>>) semaphore(%arg15 : memref<!tpu.dma_semaphore, #tpu.memory_space<semaphore_mem>>)
    %dma_wait3A_49 = arith.constant 0 : i32
    %dma_wait3A_50 = arith.constant 0 : i32
    %dma_wait3A_51 = tpu.memref_slice %arg2[%dma_wait3A_49, %dma_wait3A_50] : memref<100000x64xf32, #tpu.memory_space<hbm>> -> memref<100000x64xf32, #tpu.memory_space<hbm>>
    tpu.wait_indirect_dma semaphore(%arg14 : memref<!tpu.dma_semaphore, #tpu.memory_space<semaphore_mem>>) src(%dma_wait3A_51 : memref<100000x64xf32, #tpu.memory_space<hbm>>) dst(%arg9 : memref<896x64xf32, #tpu.memory_space<vmem>>)
    %add3A_52 = arith.constant 3584 : i32
    %add3A_53 = arith.addi %mul3A_2, %add3A_52 : i32
    "tpu.region"() ({
      %run_scoped3A = tpu.sem_alloc : memref<!tpu.dma_semaphore, #tpu.memory_space<semaphore_mem>>
      %dma_start3A_87 = arith.constant 0 : i32
      %dma_start3A_88 = tpu.memref_slice %arg6[%add3A_53, %dma_start3A_87] : memref<229376x64xf32, #tpu.memory_space<hbm>> -> memref<896x64xf32, #tpu.memory_space<hbm>>
      %dma_start3A_89 = arith.constant 0 : i32
      %dma_start3A_90 = tpu.memref_slice %arg6[%add3A_53, %dma_start3A_89] : memref<229376x64xf32, #tpu.memory_space<hbm>> -> memref<896x64xf32, #tpu.memory_space<hbm>>
      tpu.enqueue_dma source(%arg9 : memref<896x64xf32, #tpu.memory_space<vmem>>) target(%dma_start3A_90 : memref<896x64xf32, #tpu.memory_space<hbm>>) target_semaphore(%run_scoped3A : memref<!tpu.dma_semaphore, #tpu.memory_space<semaphore_mem>>)
      %dma_wait3A_91 = arith.constant 0 : i32
      %dma_wait3A_92 = tpu.memref_slice %arg6[%add3A_53, %dma_wait3A_91] : memref<229376x64xf32, #tpu.memory_space<hbm>> -> memref<896x64xf32, #tpu.memory_space<hbm>>
      %dma_wait3A_93 = arith.constant 0 : i32
      %dma_wait3A_94 = tpu.memref_slice %arg6[%add3A_53, %dma_wait3A_93] : memref<229376x64xf32, #tpu.memory_space<hbm>> -> memref<896x64xf32, #tpu.memory_space<hbm>>
      tpu.wait_dma2 semaphore(%run_scoped3A : memref<!tpu.dma_semaphore, #tpu.memory_space<semaphore_mem>>) src(%arg9 : memref<896x64xf32, #tpu.memory_space<vmem>>) dst(%dma_wait3A_94 : memref<896x64xf32, #tpu.memory_space<hbm>>)
      tpu.yield
    }) : () -> ()
    %add3A_54 = arith.constant 5376 : i32
    %add3A_55 = arith.addi %mul3A_2, %add3A_54 : i32
    "tpu.region"() ({
      %run_scoped3A = tpu.sem_alloc : memref<!tpu.dma_semaphore, #tpu.memory_space<semaphore_mem>>
      %dma_start3A_87 = tpu.memref_slice %arg3[%add3A_55] : memref<229376xi32, #tpu.memory_space<hbm>> -> memref<896xi32, #tpu.memory_space<hbm>>
      %dma_start3A_88 = tpu.memref_slice %arg3[%add3A_55] : memref<229376xi32, #tpu.memory_space<hbm>> -> memref<896xi32, #tpu.memory_space<hbm>>
      tpu.enqueue_dma source(%dma_start3A_88 : memref<896xi32, #tpu.memory_space<hbm>>) target(%arg8 : memref<896xi32, #tpu.memory_space<vmem>>) target_semaphore(%run_scoped3A : memref<!tpu.dma_semaphore, #tpu.memory_space<semaphore_mem>>)
      %dma_wait3A_89 = tpu.memref_slice %arg3[%add3A_55] : memref<229376xi32, #tpu.memory_space<hbm>> -> memref<896xi32, #tpu.memory_space<hbm>>
      %dma_wait3A_90 = tpu.memref_slice %arg3[%add3A_55] : memref<229376xi32, #tpu.memory_space<hbm>> -> memref<896xi32, #tpu.memory_space<hbm>>
      tpu.wait_dma2 semaphore(%run_scoped3A : memref<!tpu.dma_semaphore, #tpu.memory_space<semaphore_mem>>) src(%dma_wait3A_90 : memref<896xi32, #tpu.memory_space<hbm>>) dst(%arg8 : memref<896xi32, #tpu.memory_space<vmem>>)
      tpu.yield
    }) : () -> ()
    %dma_start3A_56 = arith.constant 0 : i32
    %dma_start3A_57 = arith.constant 0 : i32
    %dma_start3A_58 = tpu.memref_slice %arg2[%dma_start3A_56, %dma_start3A_57] : memref<100000x64xf32, #tpu.memory_space<hbm>> -> memref<100000x64xf32, #tpu.memory_space<hbm>>
    tpu.enqueue_indirect_dma source(%dma_start3A_58 : memref<100000x64xf32, #tpu.memory_space<hbm>>) target(%arg9 : memref<896x64xf32, #tpu.memory_space<vmem>>) offsets(%arg8 : memref<896xi32, #tpu.memory_space<vmem>>) semaphore(%arg14 : memref<!tpu.dma_semaphore, #tpu.memory_space<semaphore_mem>>)
    %dma_wait3A_59 = arith.constant 0 : i32
    %dma_wait3A_60 = arith.constant 0 : i32
    %dma_wait3A_61 = tpu.memref_slice %arg2[%dma_wait3A_59, %dma_wait3A_60] : memref<100000x64xf32, #tpu.memory_space<hbm>> -> memref<100000x64xf32, #tpu.memory_space<hbm>>
    tpu.wait_indirect_dma semaphore(%arg15 : memref<!tpu.dma_semaphore, #tpu.memory_space<semaphore_mem>>) src(%dma_wait3A_61 : memref<100000x64xf32, #tpu.memory_space<hbm>>) dst(%arg11 : memref<896x64xf32, #tpu.memory_space<vmem>>)
    %add3A_62 = arith.constant 4480 : i32
    %add3A_63 = arith.addi %mul3A_2, %add3A_62 : i32
    "tpu.region"() ({
      %run_scoped3A = tpu.sem_alloc : memref<!tpu.dma_semaphore, #tpu.memory_space<semaphore_mem>>
      %dma_start3A_87 = arith.constant 0 : i32
      %dma_start3A_88 = tpu.memref_slice %arg6[%add3A_63, %dma_start3A_87] : memref<229376x64xf32, #tpu.memory_space<hbm>> -> memref<896x64xf32, #tpu.memory_space<hbm>>
      %dma_start3A_89 = arith.constant 0 : i32
      %dma_start3A_90 = tpu.memref_slice %arg6[%add3A_63, %dma_start3A_89] : memref<229376x64xf32, #tpu.memory_space<hbm>> -> memref<896x64xf32, #tpu.memory_space<hbm>>
      tpu.enqueue_dma source(%arg11 : memref<896x64xf32, #tpu.memory_space<vmem>>) target(%dma_start3A_90 : memref<896x64xf32, #tpu.memory_space<hbm>>) target_semaphore(%run_scoped3A : memref<!tpu.dma_semaphore, #tpu.memory_space<semaphore_mem>>)
      %dma_wait3A_91 = arith.constant 0 : i32
      %dma_wait3A_92 = tpu.memref_slice %arg6[%add3A_63, %dma_wait3A_91] : memref<229376x64xf32, #tpu.memory_space<hbm>> -> memref<896x64xf32, #tpu.memory_space<hbm>>
      %dma_wait3A_93 = arith.constant 0 : i32
      %dma_wait3A_94 = tpu.memref_slice %arg6[%add3A_63, %dma_wait3A_93] : memref<229376x64xf32, #tpu.memory_space<hbm>> -> memref<896x64xf32, #tpu.memory_space<hbm>>
      tpu.wait_dma2 semaphore(%run_scoped3A : memref<!tpu.dma_semaphore, #tpu.memory_space<semaphore_mem>>) src(%arg11 : memref<896x64xf32, #tpu.memory_space<vmem>>) dst(%dma_wait3A_94 : memref<896x64xf32, #tpu.memory_space<hbm>>)
      tpu.yield
    }) : () -> ()
    %add3A_64 = arith.constant 6272 : i32
    %add3A_65 = arith.addi %mul3A_2, %add3A_64 : i32
    "tpu.region"() ({
      %run_scoped3A = tpu.sem_alloc : memref<!tpu.dma_semaphore, #tpu.memory_space<semaphore_mem>>
      %dma_start3A_87 = tpu.memref_slice %arg3[%add3A_65] : memref<229376xi32, #tpu.memory_space<hbm>> -> memref<896xi32, #tpu.memory_space<hbm>>
      %dma_start3A_88 = tpu.memref_slice %arg3[%add3A_65] : memref<229376xi32, #tpu.memory_space<hbm>> -> memref<896xi32, #tpu.memory_space<hbm>>
      tpu.enqueue_dma source(%dma_start3A_88 : memref<896xi32, #tpu.memory_space<hbm>>) target(%arg10 : memref<896xi32, #tpu.memory_space<vmem>>) target_semaphore(%run_scoped3A : memref<!tpu.dma_semaphore, #tpu.memory_space<semaphore_mem>>)
      %dma_wait3A_89 = tpu.memref_slice %arg3[%add3A_65] : memref<229376xi32, #tpu.memory_space<hbm>> -> memref<896xi32, #tpu.memory_space<hbm>>
      %dma_wait3A_90 = tpu.memref_slice %arg3[%add3A_65] : memref<229376xi32, #tpu.memory_space<hbm>> -> memref<896xi32, #tpu.memory_space<hbm>>
      tpu.wait_dma2 semaphore(%run_scoped3A : memref<!tpu.dma_semaphore, #tpu.memory_space<semaphore_mem>>) src(%dma_wait3A_90 : memref<896xi32, #tpu.memory_space<hbm>>) dst(%arg10 : memref<896xi32, #tpu.memory_space<vmem>>)
      tpu.yield
    }) : () -> ()
    %dma_start3A_66 = arith.constant 0 : i32
    %dma_start3A_67 = arith.constant 0 : i32
    %dma_start3A_68 = tpu.memref_slice %arg2[%dma_start3A_66, %dma_start3A_67] : memref<100000x64xf32, #tpu.memory_space<hbm>> -> memref<100000x64xf32, #tpu.memory_space<hbm>>
    tpu.enqueue_indirect_dma source(%dma_start3A_68 : memref<100000x64xf32, #tpu.memory_space<hbm>>) target(%arg11 : memref<896x64xf32, #tpu.memory_space<vmem>>) offsets(%arg10 : memref<896xi32, #tpu.memory_space<vmem>>) semaphore(%arg15 : memref<!tpu.dma_semaphore, #tpu.memory_space<semaphore_mem>>)
    %dma_wait3A_69 = arith.constant 0 : i32
    %dma_wait3A_70 = arith.constant 0 : i32
    %dma_wait3A_71 = tpu.memref_slice %arg2[%dma_wait3A_69, %dma_wait3A_70] : memref<100000x64xf32, #tpu.memory_space<hbm>> -> memref<100000x64xf32, #tpu.memory_space<hbm>>
    tpu.wait_indirect_dma semaphore(%arg14 : memref<!tpu.dma_semaphore, #tpu.memory_space<semaphore_mem>>) src(%dma_wait3A_71 : memref<100000x64xf32, #tpu.memory_space<hbm>>) dst(%arg9 : memref<896x64xf32, #tpu.memory_space<vmem>>)
    %add3A_72 = arith.constant 5376 : i32
    %add3A_73 = arith.addi %mul3A_2, %add3A_72 : i32
    "tpu.region"() ({
      %run_scoped3A = tpu.sem_alloc : memref<!tpu.dma_semaphore, #tpu.memory_space<semaphore_mem>>
      %dma_start3A_87 = arith.constant 0 : i32
      %dma_start3A_88 = tpu.memref_slice %arg6[%add3A_73, %dma_start3A_87] : memref<229376x64xf32, #tpu.memory_space<hbm>> -> memref<896x64xf32, #tpu.memory_space<hbm>>
      %dma_start3A_89 = arith.constant 0 : i32
      %dma_start3A_90 = tpu.memref_slice %arg6[%add3A_73, %dma_start3A_89] : memref<229376x64xf32, #tpu.memory_space<hbm>> -> memref<896x64xf32, #tpu.memory_space<hbm>>
      tpu.enqueue_dma source(%arg9 : memref<896x64xf32, #tpu.memory_space<vmem>>) target(%dma_start3A_90 : memref<896x64xf32, #tpu.memory_space<hbm>>) target_semaphore(%run_scoped3A : memref<!tpu.dma_semaphore, #tpu.memory_space<semaphore_mem>>)
      %dma_wait3A_91 = arith.constant 0 : i32
      %dma_wait3A_92 = tpu.memref_slice %arg6[%add3A_73, %dma_wait3A_91] : memref<229376x64xf32, #tpu.memory_space<hbm>> -> memref<896x64xf32, #tpu.memory_space<hbm>>
      %dma_wait3A_93 = arith.constant 0 : i32
      %dma_wait3A_94 = tpu.memref_slice %arg6[%add3A_73, %dma_wait3A_93] : memref<229376x64xf32, #tpu.memory_space<hbm>> -> memref<896x64xf32, #tpu.memory_space<hbm>>
      tpu.wait_dma2 semaphore(%run_scoped3A : memref<!tpu.dma_semaphore, #tpu.memory_space<semaphore_mem>>) src(%arg9 : memref<896x64xf32, #tpu.memory_space<vmem>>) dst(%dma_wait3A_94 : memref<896x64xf32, #tpu.memory_space<hbm>>)
      tpu.yield
    }) : () -> ()
    %dma_wait3A_74 = arith.constant 0 : i32
    %dma_wait3A_75 = arith.constant 0 : i32
    %dma_wait3A_76 = tpu.memref_slice %arg2[%dma_wait3A_74, %dma_wait3A_75] : memref<100000x64xf32, #tpu.memory_space<hbm>> -> memref<100000x64xf32, #tpu.memory_space<hbm>>
    tpu.wait_indirect_dma semaphore(%arg15 : memref<!tpu.dma_semaphore, #tpu.memory_space<semaphore_mem>>) src(%dma_wait3A_76 : memref<100000x64xf32, #tpu.memory_space<hbm>>) dst(%arg11 : memref<896x64xf32, #tpu.memory_space<vmem>>)
    %add3A_77 = arith.constant 6272 : i32
    %add3A_78 = arith.addi %mul3A_2, %add3A_77 : i32
    "tpu.region"() ({
      %run_scoped3A = tpu.sem_alloc : memref<!tpu.dma_semaphore, #tpu.memory_space<semaphore_mem>>
      %dma_start3A_87 = arith.constant 0 : i32
      %dma_start3A_88 = tpu.memref_slice %arg6[%add3A_78, %dma_start3A_87] : memref<229376x64xf32, #tpu.memory_space<hbm>> -> memref<896x64xf32, #tpu.memory_space<hbm>>
      %dma_start3A_89 = arith.constant 0 : i32
      %dma_start3A_90 = tpu.memref_slice %arg6[%add3A_78, %dma_start3A_89] : memref<229376x64xf32, #tpu.memory_space<hbm>> -> memref<896x64xf32, #tpu.memory_space<hbm>>
      tpu.enqueue_dma source(%arg11 : memref<896x64xf32, #tpu.memory_space<vmem>>) target(%dma_start3A_90 : memref<896x64xf32, #tpu.memory_space<hbm>>) target_semaphore(%run_scoped3A : memref<!tpu.dma_semaphore, #tpu.memory_space<semaphore_mem>>)
      %dma_wait3A_91 = arith.constant 0 : i32
      %dma_wait3A_92 = tpu.memref_slice %arg6[%add3A_78, %dma_wait3A_91] : memref<229376x64xf32, #tpu.memory_space<hbm>> -> memref<896x64xf32, #tpu.memory_space<hbm>>
      %dma_wait3A_93 = arith.constant 0 : i32
      %dma_wait3A_94 = tpu.memref_slice %arg6[%add3A_78, %dma_wait3A_93] : memref<229376x64xf32, #tpu.memory_space<hbm>> -> memref<896x64xf32, #tpu.memory_space<hbm>>
      tpu.wait_dma2 semaphore(%run_scoped3A : memref<!tpu.dma_semaphore, #tpu.memory_space<semaphore_mem>>) src(%arg11 : memref<896x64xf32, #tpu.memory_space<vmem>>) dst(%dma_wait3A_94 : memref<896x64xf32, #tpu.memory_space<hbm>>)
      tpu.yield
    }) : () -> ()
    %mul3A_79 = arith.constant 128 : i32
    %mul3A_80 = arith.muli %add3A, %mul3A_79 : i32
    "tpu.region"() ({
      %run_scoped3A = tpu.sem_alloc : memref<!tpu.dma_semaphore, #tpu.memory_space<semaphore_mem>>
      %dma_start3A_87 = tpu.memref_slice %arg5[%mul3A_80] : memref<4096xi32, #tpu.memory_space<hbm>> -> memref<128xi32, #tpu.memory_space<hbm>>
      %dma_start3A_88 = tpu.memref_slice %arg5[%mul3A_80] : memref<4096xi32, #tpu.memory_space<hbm>> -> memref<128xi32, #tpu.memory_space<hbm>>
      tpu.enqueue_dma source(%dma_start3A_88 : memref<128xi32, #tpu.memory_space<hbm>>) target(%arg12 : memref<128xi32, #tpu.memory_space<vmem>>) target_semaphore(%run_scoped3A : memref<!tpu.dma_semaphore, #tpu.memory_space<semaphore_mem>>)
      %dma_wait3A_89 = tpu.memref_slice %arg5[%mul3A_80] : memref<4096xi32, #tpu.memory_space<hbm>> -> memref<128xi32, #tpu.memory_space<hbm>>
      %dma_wait3A_90 = tpu.memref_slice %arg5[%mul3A_80] : memref<4096xi32, #tpu.memory_space<hbm>> -> memref<128xi32, #tpu.memory_space<hbm>>
      tpu.wait_dma2 semaphore(%run_scoped3A : memref<!tpu.dma_semaphore, #tpu.memory_space<semaphore_mem>>) src(%dma_wait3A_90 : memref<128xi32, #tpu.memory_space<hbm>>) dst(%arg12 : memref<128xi32, #tpu.memory_space<vmem>>)
      tpu.yield
    }) : () -> ()
    %dma_start3A_81 = arith.constant 0 : i32
    %dma_start3A_82 = arith.constant 0 : i32
    %dma_start3A_83 = tpu.memref_slice %arg4[%dma_start3A_81, %dma_start3A_82] : memref<100000x64xf32, #tpu.memory_space<hbm>> -> memref<100000x64xf32, #tpu.memory_space<hbm>>
    tpu.enqueue_indirect_dma source(%dma_start3A_83 : memref<100000x64xf32, #tpu.memory_space<hbm>>) target(%arg13 : memref<128x64xf32, #tpu.memory_space<vmem>>) offsets(%arg12 : memref<128xi32, #tpu.memory_space<vmem>>) semaphore(%arg14 : memref<!tpu.dma_semaphore, #tpu.memory_space<semaphore_mem>>)
    %dma_wait3A_84 = arith.constant 0 : i32
    %dma_wait3A_85 = arith.constant 0 : i32
    %dma_wait3A_86 = tpu.memref_slice %arg4[%dma_wait3A_84, %dma_wait3A_85] : memref<100000x64xf32, #tpu.memory_space<hbm>> -> memref<100000x64xf32, #tpu.memory_space<hbm>>
    tpu.wait_indirect_dma semaphore(%arg14 : memref<!tpu.dma_semaphore, #tpu.memory_space<semaphore_mem>>) src(%dma_wait3A_86 : memref<100000x64xf32, #tpu.memory_space<hbm>>) dst(%arg13 : memref<128x64xf32, #tpu.memory_space<vmem>>)
    "tpu.region"() ({
      %run_scoped3A = tpu.sem_alloc : memref<!tpu.dma_semaphore, #tpu.memory_space<semaphore_mem>>
      %dma_start3A_87 = arith.constant 0 : i32
      %dma_start3A_88 = tpu.memref_slice %arg7[%mul3A_80, %dma_start3A_87] : memref<4096x64xf32, #tpu.memory_space<hbm>> -> memref<128x64xf32, #tpu.memory_space<hbm>>
      %dma_start3A_89 = arith.constant 0 : i32
      %dma_start3A_90 = tpu.memref_slice %arg7[%mul3A_80, %dma_start3A_89] : memref<4096x64xf32, #tpu.memory_space<hbm>> -> memref<128x64xf32, #tpu.memory_space<hbm>>
      tpu.enqueue_dma source(%arg13 : memref<128x64xf32, #tpu.memory_space<vmem>>) target(%dma_start3A_90 : memref<128x64xf32, #tpu.memory_space<hbm>>) target_semaphore(%run_scoped3A : memref<!tpu.dma_semaphore, #tpu.memory_space<semaphore_mem>>)
      %dma_wait3A_91 = arith.constant 0 : i32
      %dma_wait3A_92 = tpu.memref_slice %arg7[%mul3A_80, %dma_wait3A_91] : memref<4096x64xf32, #tpu.memory_space<hbm>> -> memref<128x64xf32, #tpu.memory_space<hbm>>
      %dma_wait3A_93 = arith.constant 0 : i32
      %dma_wait3A_94 = tpu.memref_slice %arg7[%mul3A_80, %dma_wait3A_93] : memref<4096x64xf32, #tpu.memory_space<hbm>> -> memref<128x64xf32, #tpu.memory_space<hbm>>
      tpu.wait_dma2 semaphore(%run_scoped3A : memref<!tpu.dma_semaphore, #tpu.memory_space<semaphore_mem>>) src(%arg13 : memref<128x64xf32, #tpu.memory_space<vmem>>) dst(%dma_wait3A_94 : memref<128x64xf32, #tpu.memory_space<hbm>>)
      tpu.yield
    }) : () -> ()
    return
  }
}

module attributes {stable_mosaic.version = 14 : i64} {
  func.func @_attention_body(%arg0: i32, %arg1: memref<7168x64xf32, #tpu.memory_space<vmem>>, %arg2: memref<128x64xf32, #tpu.memory_space<vmem>>, %arg3: memref<7168x8xf32, #tpu.memory_space<vmem>>, %arg4: memref<8x64xf32, #tpu.memory_space<vmem>>, %arg5: memref<192x64xf32, #tpu.memory_space<vmem>>, %arg6: memref<1x64xf32, #tpu.memory_space<vmem>>, %arg7: memref<2x64xf32, #tpu.memory_space<vmem>>, %arg8: memref<2x1xf32, #tpu.memory_space<vmem>>, %arg9: memref<2x128x64xf32, #tpu.memory_space<vmem>>, %arg10: memref<2x64xf32, #tpu.memory_space<vmem>>, %arg11: memref<2x64x16xf32, #tpu.memory_space<vmem>>, %arg12: memref<2x16xf32, #tpu.memory_space<vmem>>, %arg13: memref<2x16xf32, #tpu.memory_space<vmem>>, %arg14: memref<2x1xf32, #tpu.memory_space<vmem>>, %arg15: memref<128x64xf32, #tpu.memory_space<vmem>>) attributes {dimension_semantics = [#tpu.dimension_semantics<arbitrary>], iteration_bounds = array<i64: 32>, scalar_prefetch = 0 : i64, scratch_operands = 0 : i64, tpu.core_type = #tpu.core_type<tc>, window_params = [{transform_indices = @transform_0, window_bounds = array<i64: 7168, 64>}, {transform_indices = @transform_1, window_bounds = array<i64: 128, 64>}, {transform_indices = @transform_2, window_bounds = array<i64: 7168, 8>}, {pipeline_mode = #tpu.pipeline_mode<synchronous>, transform_indices = @transform_3, window_bounds = array<i64: 8, 64>}, {pipeline_mode = #tpu.pipeline_mode<synchronous>, transform_indices = @transform_4, window_bounds = array<i64: 192, 64>}, {pipeline_mode = #tpu.pipeline_mode<synchronous>, transform_indices = @transform_5, window_bounds = array<i64: 1, 64>}, {pipeline_mode = #tpu.pipeline_mode<synchronous>, transform_indices = @transform_6, window_bounds = array<i64: 2, 64>}, {pipeline_mode = #tpu.pipeline_mode<synchronous>, transform_indices = @transform_7, window_bounds = array<i64: 2, 1>}, {pipeline_mode = #tpu.pipeline_mode<synchronous>, transform_indices = @transform_8, window_bounds = array<i64: 2, 128, 64>}, {pipeline_mode = #tpu.pipeline_mode<synchronous>, transform_indices = @transform_9, window_bounds = array<i64: 2, 64>}, {pipeline_mode = #tpu.pipeline_mode<synchronous>, transform_indices = @transform_10, window_bounds = array<i64: 2, 64, 16>}, {pipeline_mode = #tpu.pipeline_mode<synchronous>, transform_indices = @transform_11, window_bounds = array<i64: 2, 16>}, {pipeline_mode = #tpu.pipeline_mode<synchronous>, transform_indices = @transform_12, window_bounds = array<i64: 2, 16>}, {pipeline_mode = #tpu.pipeline_mode<synchronous>, transform_indices = @transform_13, window_bounds = array<i64: 2, 1>}, {transform_indices = @transform_14, window_bounds = array<i64: 128, 64>}]} {
    %get3A = arith.constant 0 : index
    %get3A_0 = arith.constant 0 : index
    %get3A_1 = vector.load %arg1[%get3A, %get3A_0] : memref<7168x64xf32, #tpu.memory_space<vmem>>, vector<7168x64xf32>
    %get3A_2 = arith.constant 0 : index
    %get3A_3 = arith.constant 0 : index
    %get3A_4 = vector.load %arg3[%get3A_2, %get3A_3] : memref<7168x8xf32, #tpu.memory_space<vmem>>, vector<7168x8xf32>
    %get3A_5 = arith.constant 0 : index
    %get3A_6 = arith.constant 0 : index
    %get3A_7 = vector.load %arg4[%get3A_5, %get3A_6] : memref<8x64xf32, #tpu.memory_space<vmem>>, vector<8x64xf32>
    %dot_general3A = arith.constant dense<0.000000e+00> : vector<7168x64xf32>
    %dot_general3A_8 = tpu.matmul %get3A_4, %get3A_7, %dot_general3A {dimension_numbers = #tpu.dot_dimension_numbers<[1], [0], [0], [1], [0, 0, 1, 1], [], []>, transpose_lhs_hint = false} : vector<7168x8xf32>, vector<8x64xf32>, vector<7168x64xf32> -> vector<7168x64xf32>
    %mul3A = arith.mulf %get3A_1, %dot_general3A_8 : vector<7168x64xf32>
    %get3A_9 = arith.constant 0 : index
    %get3A_10 = arith.constant 0 : index
    %get3A_11 = vector.load %arg5[%get3A_9, %get3A_10] : memref<192x64xf32, #tpu.memory_space<vmem>>, vector<64x64xf32>
    %dot_general3A_12 = arith.constant dense<0.000000e+00> : vector<7168x64xf32>
    %dot_general3A_13 = tpu.matmul %get3A_1, %get3A_11, %dot_general3A_12 {dimension_numbers = #tpu.dot_dimension_numbers<[1], [0], [0], [1], [0, 0, 1, 1], [], []>, transpose_lhs_hint = false} : vector<7168x64xf32>, vector<64x64xf32>, vector<7168x64xf32> -> vector<7168x64xf32>
    %get3A_14 = arith.constant 64 : index
    %get3A_15 = arith.constant 0 : index
    %get3A_16 = vector.load %arg5[%get3A_14, %get3A_15] : memref<192x64xf32, #tpu.memory_space<vmem>>, vector<64x64xf32>
    %dot_general3A_17 = arith.constant dense<0.000000e+00> : vector<7168x64xf32>
    %dot_general3A_18 = tpu.matmul %dot_general3A_8, %get3A_16, %dot_general3A_17 {dimension_numbers = #tpu.dot_dimension_numbers<[1], [0], [0], [1], [0, 0, 1, 1], [], []>, transpose_lhs_hint = false} : vector<7168x64xf32>, vector<64x64xf32>, vector<7168x64xf32> -> vector<7168x64xf32>
    %add3A = arith.addf %dot_general3A_13, %dot_general3A_18 : vector<7168x64xf32>
    %get3A_19 = arith.constant 128 : index
    %get3A_20 = arith.constant 0 : index
    %get3A_21 = vector.load %arg5[%get3A_19, %get3A_20] : memref<192x64xf32, #tpu.memory_space<vmem>>, vector<64x64xf32>
    %dot_general3A_22 = arith.constant dense<0.000000e+00> : vector<7168x64xf32>
    %dot_general3A_23 = tpu.matmul %mul3A, %get3A_21, %dot_general3A_22 {dimension_numbers = #tpu.dot_dimension_numbers<[1], [0], [0], [1], [0, 0, 1, 1], [], []>, transpose_lhs_hint = false} : vector<7168x64xf32>, vector<64x64xf32>, vector<7168x64xf32> -> vector<7168x64xf32>
    %add3A_24 = arith.addf %add3A, %dot_general3A_23 : vector<7168x64xf32>
    %get3A_25 = arith.constant 0 : index
    %get3A_26 = arith.constant 0 : index
    %get3A_27 = vector.load %arg6[%get3A_25, %get3A_26] : memref<1x64xf32, #tpu.memory_space<vmem>>, vector<1x64xf32>
    %add3A_28 = vector.broadcast %get3A_27 : vector<1x64xf32> to vector<7168x64xf32>
    %add3A_29 = arith.addf %add3A_24, %add3A_28 : vector<7168x64xf32>
    %logistic3A = arith.negf %add3A_29 : vector<7168x64xf32>
    %logistic3A_30 = math.exp %logistic3A : vector<7168x64xf32>
    %logistic3A_31 = arith.constant 1.000000e+00 : f32
    %logistic3A_32 = vector.broadcast %logistic3A_31 : f32 to vector<7168x64xf32>
    %logistic3A_33 = arith.addf %logistic3A_32, %logistic3A_30 : vector<7168x64xf32>
    %logistic3A_34 = arith.divf %logistic3A_32, %logistic3A_33 : vector<7168x64xf32>
    %mul3A_35 = arith.mulf %logistic3A_34, %get3A_1 : vector<7168x64xf32>
    %sub3A = arith.constant 1.000000e+00 : f32
    %sub3A_36 = vector.broadcast %sub3A : f32 to vector<7168x64xf32>
    %sub3A_37 = arith.subf %sub3A_36, %logistic3A_34 : vector<7168x64xf32>
    %mul3A_38 = arith.mulf %sub3A_37, %dot_general3A_8 : vector<7168x64xf32>
    %add3A_39 = arith.addf %mul3A_35, %mul3A_38 : vector<7168x64xf32>
    %get3A_40 = arith.constant 0 : index
    %get3A_41 = arith.constant 0 : index
    %get3A_42 = vector.load %arg2[%get3A_40, %get3A_41] : memref<128x64xf32, #tpu.memory_space<vmem>>, vector<128x64xf32>
    %iota3A = tpu.iota {dimensions = array<i32: 0>} : vector<56x128xi32>
    %lt3A = arith.constant 50 : i32
    %lt3A_43 = vector.broadcast %lt3A : i32 to vector<56x128xi32>
    %lt3A_44 = arith.cmpi slt, %iota3A, %lt3A_43 : vector<56x128xi32>
    %mul3A_45 = arith.mulf %add3A_39, %add3A_39 : vector<7168x64xf32>
    %reduce_sum3A = arith.constant dense<0.000000e+00> : vector<7168xf32>
    %reduce_sum3A_46 = vector.multi_reduction <add>, %mul3A_45, %reduce_sum3A [1] : vector<7168x64xf32> to vector<7168xf32>
    %broadcast_in_dim3A = vector.shape_cast %reduce_sum3A_46 : vector<7168xf32> to vector<7168x1xf32>
    %sqrt3A = math.sqrt %broadcast_in_dim3A : vector<7168x1xf32>
    %max3A = arith.constant 9.99999996E-13 : f32
    %max3A_47 = vector.broadcast %max3A : f32 to vector<7168x1xf32>
    %max3A_48 = arith.maximumf %sqrt3A, %max3A_47 : vector<7168x1xf32>
    %div3A = vector.broadcast %max3A_48 : vector<7168x1xf32> to vector<7168x64xf32>
    %div3A_49 = arith.divf %add3A_39, %div3A : vector<7168x64xf32>
    %mul3A_50 = arith.mulf %get3A_42, %get3A_42 : vector<128x64xf32>
    %reduce_sum3A_51 = arith.constant dense<0.000000e+00> : vector<128xf32>
    %reduce_sum3A_52 = vector.multi_reduction <add>, %mul3A_50, %reduce_sum3A_51 [1] : vector<128x64xf32> to vector<128xf32>
    %broadcast_in_dim3A_53 = vector.shape_cast %reduce_sum3A_52 : vector<128xf32> to vector<128x1xf32>
    %sqrt3A_54 = math.sqrt %broadcast_in_dim3A_53 : vector<128x1xf32>
    %max3A_55 = arith.constant 9.99999996E-13 : f32
    %max3A_56 = vector.broadcast %max3A_55 : f32 to vector<128x1xf32>
    %max3A_57 = arith.maximumf %sqrt3A_54, %max3A_56 : vector<128x1xf32>
    %div3A_58 = vector.broadcast %max3A_57 : vector<128x1xf32> to vector<128x64xf32>
    %div3A_59 = arith.divf %get3A_42, %div3A_58 : vector<128x64xf32>
    %reshape3A = vector.shape_cast %div3A_49 : vector<7168x64xf32> to vector<128x56x64xf32>
    %get3A_60 = arith.constant 0 : index
    %get3A_61 = arith.constant 0 : index
    %get3A_62 = arith.constant 0 : index
    %get3A_63 = vector.load %arg9[%get3A_60, %get3A_61, %get3A_62] : memref<2x128x64xf32, #tpu.memory_space<vmem>>, vector<1x128x64xf32>
    %get3A_64 = vector.shape_cast %get3A_63 : vector<1x128x64xf32> to vector<128x64xf32>
    %slice3A = vector.extract_strided_slice %get3A_64 {offsets = [0, 0], sizes = [64, 64], strides = [1, 1]} : vector<128x64xf32> to vector<64x64xf32>
    %dot_general3A_65 = arith.constant dense<0.000000e+00> : vector<7168x64xf32>
    %dot_general3A_66 = tpu.matmul %div3A_49, %slice3A, %dot_general3A_65 {dimension_numbers = #tpu.dot_dimension_numbers<[1], [0], [0], [1], [0, 0, 1, 1], [], []>, transpose_lhs_hint = false} : vector<7168x64xf32>, vector<64x64xf32>, vector<7168x64xf32> -> vector<7168x64xf32>
    %reshape3A_67 = vector.shape_cast %dot_general3A_66 : vector<7168x64xf32> to vector<128x56x64xf32>
    %slice3A_68 = vector.extract_strided_slice %get3A_64 {offsets = [64, 0], sizes = [64, 64], strides = [1, 1]} : vector<128x64xf32> to vector<64x64xf32>
    %dot_general3A_69 = arith.constant dense<0.000000e+00> : vector<128x64xf32>
    %dot_general3A_70 = tpu.matmul %div3A_59, %slice3A_68, %dot_general3A_69 {dimension_numbers = #tpu.dot_dimension_numbers<[1], [0], [0], [1], [0, 0, 1, 1], [], []>, transpose_lhs_hint = false} : vector<128x64xf32>, vector<64x64xf32>, vector<128x64xf32> -> vector<128x64xf32>
    %broadcast_in_dim3A_71 = vector.shape_cast %dot_general3A_70 : vector<128x64xf32> to vector<128x1x64xf32>
    %broadcast_in_dim3A_72 = vector.broadcast %broadcast_in_dim3A_71 : vector<128x1x64xf32> to vector<128x56x64xf32>
    %add3A_73 = arith.addf %reshape3A_67, %broadcast_in_dim3A_72 : vector<128x56x64xf32>
    %get3A_74 = arith.constant 0 : index
    %get3A_75 = arith.constant 0 : index
    %get3A_76 = vector.load %arg10[%get3A_74, %get3A_75] : memref<2x64xf32, #tpu.memory_space<vmem>>, vector<1x64xf32>
    %get3A_77 = vector.shape_cast %get3A_76 : vector<1x64xf32> to vector<64xf32>
    %broadcast_in_dim3A_78 = vector.shape_cast %get3A_77 : vector<64xf32> to vector<1x1x64xf32>
    %broadcast_in_dim3A_79 = vector.broadcast %broadcast_in_dim3A_78 : vector<1x1x64xf32> to vector<128x56x64xf32>
    %add3A_80 = arith.addf %add3A_73, %broadcast_in_dim3A_79 : vector<128x56x64xf32>
    %gt3A = arith.constant 0.000000e+00 : f32
    %gt3A_81 = vector.broadcast %gt3A : f32 to vector<128x56x64xf32>
    %gt3A_82 = arith.cmpf ogt, %add3A_80, %gt3A_81 : vector<128x56x64xf32>
    %exp3A = math.exp %add3A_80 : vector<128x56x64xf32>
    %sub3A_83 = arith.constant 1.000000e+00 : f32
    %sub3A_84 = vector.broadcast %sub3A_83 : f32 to vector<128x56x64xf32>
    %sub3A_85 = arith.subf %exp3A, %sub3A_84 : vector<128x56x64xf32>
    %mul3A_86 = arith.constant 1.67326319 : f32
    %mul3A_87 = vector.broadcast %mul3A_86 : f32 to vector<128x56x64xf32>
    %mul3A_88 = arith.mulf %mul3A_87, %sub3A_85 : vector<128x56x64xf32>
    %select_n3A = arith.select %gt3A_82, %add3A_80, %mul3A_88 : vector<128x56x64xi1>, vector<128x56x64xf32>
    %mul3A_89 = arith.constant 1.05070102 : f32
    %mul3A_90 = vector.broadcast %mul3A_89 : f32 to vector<128x56x64xf32>
    %mul3A_91 = arith.mulf %mul3A_90, %select_n3A : vector<128x56x64xf32>
    %reshape3A_92 = vector.shape_cast %mul3A_91 : vector<128x56x64xf32> to vector<7168x64xf32>
    %get3A_93 = arith.constant 0 : index
    %get3A_94 = arith.constant 0 : index
    %get3A_95 = arith.constant 0 : index
    %get3A_96 = vector.load %arg11[%get3A_93, %get3A_94, %get3A_95] : memref<2x64x16xf32, #tpu.memory_space<vmem>>, vector<1x64x16xf32>
    %get3A_97 = vector.shape_cast %get3A_96 : vector<1x64x16xf32> to vector<64x16xf32>
    %dot_general3A_98 = arith.constant dense<0.000000e+00> : vector<7168x16xf32>
    %dot_general3A_99 = tpu.matmul %reshape3A_92, %get3A_97, %dot_general3A_98 {dimension_numbers = #tpu.dot_dimension_numbers<[1], [0], [0], [1], [0, 0, 1, 1], [], []>, transpose_lhs_hint = false} : vector<7168x64xf32>, vector<64x16xf32>, vector<7168x16xf32> -> vector<7168x16xf32>
    %get3A_100 = arith.constant 0 : index
    %get3A_101 = arith.constant 0 : index
    %get3A_102 = vector.load %arg12[%get3A_100, %get3A_101] : memref<2x16xf32, #tpu.memory_space<vmem>>, vector<1x16xf32>
    %add3A_103 = vector.broadcast %get3A_102 : vector<1x16xf32> to vector<7168x16xf32>
    %add3A_104 = arith.addf %dot_general3A_99, %add3A_103 : vector<7168x16xf32>
    %gt3A_105 = arith.constant 0.000000e+00 : f32
    %gt3A_106 = vector.broadcast %gt3A_105 : f32 to vector<7168x16xf32>
    %gt3A_107 = arith.cmpf ogt, %add3A_104, %gt3A_106 : vector<7168x16xf32>
    %exp3A_108 = math.exp %add3A_104 : vector<7168x16xf32>
    %sub3A_109 = arith.constant 1.000000e+00 : f32
    %sub3A_110 = vector.broadcast %sub3A_109 : f32 to vector<7168x16xf32>
    %sub3A_111 = arith.subf %exp3A_108, %sub3A_110 : vector<7168x16xf32>
    %mul3A_112 = arith.constant 1.67326319 : f32
    %mul3A_113 = vector.broadcast %mul3A_112 : f32 to vector<7168x16xf32>
    %mul3A_114 = arith.mulf %mul3A_113, %sub3A_111 : vector<7168x16xf32>
    %select_n3A_115 = arith.select %gt3A_107, %add3A_104, %mul3A_114 : vector<7168x16xi1>, vector<7168x16xf32>
    %mul3A_116 = arith.constant 1.05070102 : f32
    %mul3A_117 = vector.broadcast %mul3A_116 : f32 to vector<7168x16xf32>
    %mul3A_118 = arith.mulf %mul3A_117, %select_n3A_115 : vector<7168x16xf32>
    %reshape3A_119 = vector.shape_cast %mul3A_118 : vector<7168x16xf32> to vector<128x56x16xf32>
    %get3A_120 = arith.constant 0 : index
    %get3A_121 = arith.constant 0 : index
    %get3A_122 = vector.load %arg13[%get3A_120, %get3A_121] : memref<2x16xf32, #tpu.memory_space<vmem>>, vector<1x16xf32>
    %get3A_123 = vector.shape_cast %get3A_122 : vector<1x16xf32> to vector<16xf32>
    %broadcast_in_dim3A_124 = vector.shape_cast %get3A_123 : vector<16xf32> to vector<1x1x16xf32>
    %broadcast_in_dim3A_125 = vector.broadcast %broadcast_in_dim3A_124 : vector<1x1x16xf32> to vector<128x56x16xf32>
    %mul3A_126 = arith.mulf %reshape3A_119, %broadcast_in_dim3A_125 : vector<128x56x16xf32>
    %reduce_sum3A_127 = arith.constant dense<0.000000e+00> : vector<128x56xf32>
    %reduce_sum3A_128 = vector.multi_reduction <add>, %mul3A_126, %reduce_sum3A_127 [2] : vector<128x56x16xf32> to vector<128x56xf32>
    %get3A_129 = arith.constant 0 : index
    %get3A_130 = arith.constant 0 : index
    %get3A_131 = vector.load %arg14[%get3A_129, %get3A_130] : memref<2x1xf32, #tpu.memory_space<vmem>>, vector<1x1xf32>
    %get3A_132 = vector.extract %get3A_131[0, 0] : f32 from vector<1x1xf32>
    %add3A_133 = vector.broadcast %get3A_132 : f32 to vector<128x56xf32>
    %add3A_134 = arith.addf %reduce_sum3A_128, %add3A_133 : vector<128x56xf32>
    %get3A_135 = arith.constant 0 : index
    %get3A_136 = arith.constant 0 : index
    %get3A_137 = vector.load %arg7[%get3A_135, %get3A_136] : memref<2x64xf32, #tpu.memory_space<vmem>>, vector<1x64xf32>
    %get3A_138 = vector.shape_cast %get3A_137 : vector<1x64xf32> to vector<64xf32>
    %broadcast_in_dim3A_139 = vector.shape_cast %get3A_138 : vector<64xf32> to vector<1x1x64xf32>
    %broadcast_in_dim3A_140 = vector.broadcast %broadcast_in_dim3A_139 : vector<1x1x64xf32> to vector<128x56x64xf32>
    %mul3A_141 = arith.mulf %reshape3A, %broadcast_in_dim3A_140 : vector<128x56x64xf32>
    %reduce_sum3A_142 = arith.constant dense<0.000000e+00> : vector<128x56xf32>
    %reduce_sum3A_143 = vector.multi_reduction <add>, %mul3A_141, %reduce_sum3A_142 [2] : vector<128x56x64xf32> to vector<128x56xf32>
    %get3A_144 = arith.constant 0 : index
    %get3A_145 = arith.constant 0 : index
    %get3A_146 = vector.load %arg8[%get3A_144, %get3A_145] : memref<2x1xf32, #tpu.memory_space<vmem>>, vector<1x1xf32>
    %get3A_147 = vector.extract %get3A_146[0, 0] : f32 from vector<1x1xf32>
    %add3A_148 = vector.broadcast %get3A_147 : f32 to vector<128x56xf32>
    %add3A_149 = arith.addf %reduce_sum3A_143, %add3A_148 : vector<128x56xf32>
    %logistic3A_150 = arith.negf %add3A_149 : vector<128x56xf32>
    %logistic3A_151 = math.exp %logistic3A_150 : vector<128x56xf32>
    %logistic3A_152 = arith.constant 1.000000e+00 : f32
    %logistic3A_153 = vector.broadcast %logistic3A_152 : f32 to vector<128x56xf32>
    %logistic3A_154 = arith.addf %logistic3A_153, %logistic3A_151 : vector<128x56xf32>
    %logistic3A_155 = arith.divf %logistic3A_153, %logistic3A_154 : vector<128x56xf32>
    %add3A_156 = arith.constant 1.000000e+00 : f32
    %add3A_157 = vector.broadcast %add3A_156 : f32 to vector<128x56xf32>
    %add3A_158 = arith.addf %logistic3A_155, %add3A_157 : vector<128x56xf32>
    %transpose3A = tpu.transpose %add3A_134, [1, 0] : vector<128x56xf32> -> vector<56x128xf32>
    %jit3A = arith.constant -1.000000e+30 : f32
    %broadcast_in_dim3A_159 = vector.broadcast %jit3A : f32 to vector<56x128xf32>
    %select_n3A_160 = arith.select %lt3A_44, %transpose3A, %broadcast_in_dim3A_159 : vector<56x128xi1>, vector<56x128xf32>
    %transpose3A_161 = tpu.transpose %add3A_158, [1, 0] : vector<128x56xf32> -> vector<56x128xf32>
    %sub3A_162 = arith.constant 1.000000e+00 : f32
    %sub3A_163 = vector.broadcast %sub3A_162 : f32 to vector<56x128xf32>
    %sub3A_164 = arith.subf %transpose3A_161, %sub3A_163 : vector<56x128xf32>
    %mul3A_165 = arith.mulf %sub3A_164, %select_n3A_160 : vector<56x128xf32>
    %div3A_166 = arith.constant 1.000000e+00 : f32
    %div3A_167 = vector.broadcast %div3A_166 : f32 to vector<56x128xf32>
    %div3A_168 = arith.divf %div3A_167, %sub3A_164 : vector<56x128xf32>
    %reduce_max3A = arith.constant dense<0xFF800000> : vector<128xf32>
    %reduce_max3A_169 = vector.multi_reduction <maximumf>, %mul3A_165, %reduce_max3A [0] : vector<56x128xf32> to vector<128xf32>
    %broadcast_in_dim3A_170 = vector.shape_cast %reduce_max3A_169 : vector<128xf32> to vector<1x128xf32>
    %sub3A_171 = arith.constant 1.000000e+00 : f32
    %sub3A_172 = vector.broadcast %sub3A_171 : f32 to vector<1x128xf32>
    %sub3A_173 = arith.subf %broadcast_in_dim3A_170, %sub3A_172 : vector<1x128xf32>
    %add3A_174 = arith.addf %sub3A_173, %broadcast_in_dim3A_170 : vector<1x128xf32>
    %mul3A_175 = arith.constant 5.000000e-01 : f32
    %mul3A_176 = vector.broadcast %mul3A_175 : f32 to vector<1x128xf32>
    %mul3A_177 = arith.mulf %mul3A_176, %add3A_174 : vector<1x128xf32>
    %sub3A_178 = vector.broadcast %mul3A_177 : vector<1x128xf32> to vector<56x128xf32>
    %sub3A_179 = arith.subf %mul3A_165, %sub3A_178 : vector<56x128xf32>
    %gt3A_180 = arith.constant 0.000000e+00 : f32
    %gt3A_181 = vector.broadcast %gt3A_180 : f32 to vector<56x128xf32>
    %gt3A_182 = arith.cmpf ogt, %sub3A_179, %gt3A_181 : vector<56x128xf32>
    %jit3A_183 = arith.constant 1.000000e+00 : f32
    %broadcast_in_dim3A_184 = vector.broadcast %jit3A_183 : f32 to vector<56x128xf32>
    %select_n3A_185 = arith.select %gt3A_182, %sub3A_179, %broadcast_in_dim3A_184 : vector<56x128xi1>, vector<56x128xf32>
    %log3A = math.log %select_n3A_185 : vector<56x128xf32>
    %mul3A_186 = arith.mulf %div3A_168, %log3A : vector<56x128xf32>
    %exp3A_187 = math.exp %mul3A_186 : vector<56x128xf32>
    %jit3A_188 = arith.constant 0.000000e+00 : f32
    %broadcast_in_dim3A_189 = vector.broadcast %jit3A_188 : f32 to vector<56x128xf32>
    %select_n3A_190 = arith.select %gt3A_182, %exp3A_187, %broadcast_in_dim3A_189 : vector<56x128xi1>, vector<56x128xf32>
    %reduce_sum3A_191 = arith.constant dense<0.000000e+00> : vector<128xf32>
    %reduce_sum3A_192 = vector.multi_reduction <add>, %select_n3A_190, %reduce_sum3A_191 [0] : vector<56x128xf32> to vector<128xf32>
    %broadcast_in_dim3A_193 = vector.shape_cast %reduce_sum3A_192 : vector<128xf32> to vector<1x128xf32>
    %sub3A_194 = arith.constant 1.000000e+00 : f32
    %sub3A_195 = vector.broadcast %sub3A_194 : f32 to vector<1x128xf32>
    %sub3A_196 = arith.subf %broadcast_in_dim3A_193, %sub3A_195 : vector<1x128xf32>
    %gt3A_197 = arith.constant 0.000000e+00 : f32
    %gt3A_198 = vector.broadcast %gt3A_197 : f32 to vector<1x128xf32>
    %gt3A_199 = arith.cmpf ogt, %sub3A_196, %gt3A_198 : vector<1x128xf32>
    %select_n3A_200 = arith.select %gt3A_199, %mul3A_177, %sub3A_173 : vector<1x128xi1>, vector<1x128xf32>
    %select_n3A_201 = arith.select %gt3A_199, %broadcast_in_dim3A_170, %mul3A_177 : vector<1x128xi1>, vector<1x128xf32>
    %add3A_202 = arith.addf %select_n3A_200, %select_n3A_201 : vector<1x128xf32>
    %mul3A_203 = arith.constant 5.000000e-01 : f32
    %mul3A_204 = vector.broadcast %mul3A_203 : f32 to vector<1x128xf32>
    %mul3A_205 = arith.mulf %mul3A_204, %add3A_202 : vector<1x128xf32>
    %sub3A_206 = vector.broadcast %mul3A_205 : vector<1x128xf32> to vector<56x128xf32>
    %sub3A_207 = arith.subf %mul3A_165, %sub3A_206 : vector<56x128xf32>
    %gt3A_208 = arith.constant 0.000000e+00 : f32
    %gt3A_209 = vector.broadcast %gt3A_208 : f32 to vector<56x128xf32>
    %gt3A_210 = arith.cmpf ogt, %sub3A_207, %gt3A_209 : vector<56x128xf32>
    %jit3A_211 = arith.constant 1.000000e+00 : f32
    %broadcast_in_dim3A_212 = vector.broadcast %jit3A_211 : f32 to vector<56x128xf32>
    %select_n3A_213 = arith.select %gt3A_210, %sub3A_207, %broadcast_in_dim3A_212 : vector<56x128xi1>, vector<56x128xf32>
    %log3A_214 = math.log %select_n3A_213 : vector<56x128xf32>
    %mul3A_215 = arith.mulf %div3A_168, %log3A_214 : vector<56x128xf32>
    %exp3A_216 = math.exp %mul3A_215 : vector<56x128xf32>
    %jit3A_217 = arith.constant 0.000000e+00 : f32
    %broadcast_in_dim3A_218 = vector.broadcast %jit3A_217 : f32 to vector<56x128xf32>
    %select_n3A_219 = arith.select %gt3A_210, %exp3A_216, %broadcast_in_dim3A_218 : vector<56x128xi1>, vector<56x128xf32>
    %reduce_sum3A_220 = arith.constant dense<0.000000e+00> : vector<128xf32>
    %reduce_sum3A_221 = vector.multi_reduction <add>, %select_n3A_219, %reduce_sum3A_220 [0] : vector<56x128xf32> to vector<128xf32>
    %broadcast_in_dim3A_222 = vector.shape_cast %reduce_sum3A_221 : vector<128xf32> to vector<1x128xf32>
    %sub3A_223 = arith.constant 1.000000e+00 : f32
    %sub3A_224 = vector.broadcast %sub3A_223 : f32 to vector<1x128xf32>
    %sub3A_225 = arith.subf %broadcast_in_dim3A_222, %sub3A_224 : vector<1x128xf32>
    %gt3A_226 = arith.constant 0.000000e+00 : f32
    %gt3A_227 = vector.broadcast %gt3A_226 : f32 to vector<1x128xf32>
    %gt3A_228 = arith.cmpf ogt, %sub3A_225, %gt3A_227 : vector<1x128xf32>
    %select_n3A_229 = arith.select %gt3A_228, %mul3A_205, %select_n3A_200 : vector<1x128xi1>, vector<1x128xf32>
    %select_n3A_230 = arith.select %gt3A_228, %select_n3A_201, %mul3A_205 : vector<1x128xi1>, vector<1x128xf32>
    %add3A_231 = arith.addf %select_n3A_229, %select_n3A_230 : vector<1x128xf32>
    %mul3A_232 = arith.constant 5.000000e-01 : f32
    %mul3A_233 = vector.broadcast %mul3A_232 : f32 to vector<1x128xf32>
    %mul3A_234 = arith.mulf %mul3A_233, %add3A_231 : vector<1x128xf32>
    %sub3A_235 = vector.broadcast %mul3A_234 : vector<1x128xf32> to vector<56x128xf32>
    %sub3A_236 = arith.subf %mul3A_165, %sub3A_235 : vector<56x128xf32>
    %gt3A_237 = arith.constant 0.000000e+00 : f32
    %gt3A_238 = vector.broadcast %gt3A_237 : f32 to vector<56x128xf32>
    %gt3A_239 = arith.cmpf ogt, %sub3A_236, %gt3A_238 : vector<56x128xf32>
    %jit3A_240 = arith.constant 1.000000e+00 : f32
    %broadcast_in_dim3A_241 = vector.broadcast %jit3A_240 : f32 to vector<56x128xf32>
    %select_n3A_242 = arith.select %gt3A_239, %sub3A_236, %broadcast_in_dim3A_241 : vector<56x128xi1>, vector<56x128xf32>
    %log3A_243 = math.log %select_n3A_242 : vector<56x128xf32>
    %mul3A_244 = arith.mulf %div3A_168, %log3A_243 : vector<56x128xf32>
    %exp3A_245 = math.exp %mul3A_244 : vector<56x128xf32>
    %jit3A_246 = arith.constant 0.000000e+00 : f32
    %broadcast_in_dim3A_247 = vector.broadcast %jit3A_246 : f32 to vector<56x128xf32>
    %select_n3A_248 = arith.select %gt3A_239, %exp3A_245, %broadcast_in_dim3A_247 : vector<56x128xi1>, vector<56x128xf32>
    %reduce_sum3A_249 = arith.constant dense<0.000000e+00> : vector<128xf32>
    %reduce_sum3A_250 = vector.multi_reduction <add>, %select_n3A_248, %reduce_sum3A_249 [0] : vector<56x128xf32> to vector<128xf32>
    %broadcast_in_dim3A_251 = vector.shape_cast %reduce_sum3A_250 : vector<128xf32> to vector<1x128xf32>
    %sub3A_252 = arith.constant 1.000000e+00 : f32
    %sub3A_253 = vector.broadcast %sub3A_252 : f32 to vector<1x128xf32>
    %sub3A_254 = arith.subf %broadcast_in_dim3A_251, %sub3A_253 : vector<1x128xf32>
    %gt3A_255 = arith.constant 0.000000e+00 : f32
    %gt3A_256 = vector.broadcast %gt3A_255 : f32 to vector<1x128xf32>
    %gt3A_257 = arith.cmpf ogt, %sub3A_254, %gt3A_256 : vector<1x128xf32>
    %select_n3A_258 = arith.select %gt3A_257, %mul3A_234, %select_n3A_229 : vector<1x128xi1>, vector<1x128xf32>
    %select_n3A_259 = arith.select %gt3A_257, %select_n3A_230, %mul3A_234 : vector<1x128xi1>, vector<1x128xf32>
    %add3A_260 = arith.addf %select_n3A_258, %select_n3A_259 : vector<1x128xf32>
    %mul3A_261 = arith.constant 5.000000e-01 : f32
    %mul3A_262 = vector.broadcast %mul3A_261 : f32 to vector<1x128xf32>
    %mul3A_263 = arith.mulf %mul3A_262, %add3A_260 : vector<1x128xf32>
    %sub3A_264 = vector.broadcast %mul3A_263 : vector<1x128xf32> to vector<56x128xf32>
    %sub3A_265 = arith.subf %mul3A_165, %sub3A_264 : vector<56x128xf32>
    %gt3A_266 = arith.constant 0.000000e+00 : f32
    %gt3A_267 = vector.broadcast %gt3A_266 : f32 to vector<56x128xf32>
    %gt3A_268 = arith.cmpf ogt, %sub3A_265, %gt3A_267 : vector<56x128xf32>
    %jit3A_269 = arith.constant 1.000000e+00 : f32
    %broadcast_in_dim3A_270 = vector.broadcast %jit3A_269 : f32 to vector<56x128xf32>
    %select_n3A_271 = arith.select %gt3A_268, %sub3A_265, %broadcast_in_dim3A_270 : vector<56x128xi1>, vector<56x128xf32>
    %log3A_272 = math.log %select_n3A_271 : vector<56x128xf32>
    %mul3A_273 = arith.mulf %div3A_168, %log3A_272 : vector<56x128xf32>
    %exp3A_274 = math.exp %mul3A_273 : vector<56x128xf32>
    %jit3A_275 = arith.constant 0.000000e+00 : f32
    %broadcast_in_dim3A_276 = vector.broadcast %jit3A_275 : f32 to vector<56x128xf32>
    %select_n3A_277 = arith.select %gt3A_268, %exp3A_274, %broadcast_in_dim3A_276 : vector<56x128xi1>, vector<56x128xf32>
    %reduce_sum3A_278 = arith.constant dense<0.000000e+00> : vector<128xf32>
    %reduce_sum3A_279 = vector.multi_reduction <add>, %select_n3A_277, %reduce_sum3A_278 [0] : vector<56x128xf32> to vector<128xf32>
    %broadcast_in_dim3A_280 = vector.shape_cast %reduce_sum3A_279 : vector<128xf32> to vector<1x128xf32>
    %sub3A_281 = arith.constant 1.000000e+00 : f32
    %sub3A_282 = vector.broadcast %sub3A_281 : f32 to vector<1x128xf32>
    %sub3A_283 = arith.subf %broadcast_in_dim3A_280, %sub3A_282 : vector<1x128xf32>
    %gt3A_284 = arith.constant 0.000000e+00 : f32
    %gt3A_285 = vector.broadcast %gt3A_284 : f32 to vector<1x128xf32>
    %gt3A_286 = arith.cmpf ogt, %sub3A_283, %gt3A_285 : vector<1x128xf32>
    %select_n3A_287 = arith.select %gt3A_286, %mul3A_263, %select_n3A_258 : vector<1x128xi1>, vector<1x128xf32>
    %select_n3A_288 = arith.select %gt3A_286, %select_n3A_259, %mul3A_263 : vector<1x128xi1>, vector<1x128xf32>
    %add3A_289 = arith.addf %select_n3A_287, %select_n3A_288 : vector<1x128xf32>
    %mul3A_290 = arith.constant 5.000000e-01 : f32
    %mul3A_291 = vector.broadcast %mul3A_290 : f32 to vector<1x128xf32>
    %mul3A_292 = arith.mulf %mul3A_291, %add3A_289 : vector<1x128xf32>
    %sub3A_293 = vector.broadcast %mul3A_292 : vector<1x128xf32> to vector<56x128xf32>
    %sub3A_294 = arith.subf %mul3A_165, %sub3A_293 : vector<56x128xf32>
    %gt3A_295 = arith.constant 0.000000e+00 : f32
    %gt3A_296 = vector.broadcast %gt3A_295 : f32 to vector<56x128xf32>
    %gt3A_297 = arith.cmpf ogt, %sub3A_294, %gt3A_296 : vector<56x128xf32>
    %jit3A_298 = arith.constant 1.000000e+00 : f32
    %broadcast_in_dim3A_299 = vector.broadcast %jit3A_298 : f32 to vector<56x128xf32>
    %select_n3A_300 = arith.select %gt3A_297, %sub3A_294, %broadcast_in_dim3A_299 : vector<56x128xi1>, vector<56x128xf32>
    %log3A_301 = math.log %select_n3A_300 : vector<56x128xf32>
    %mul3A_302 = arith.mulf %div3A_168, %log3A_301 : vector<56x128xf32>
    %exp3A_303 = math.exp %mul3A_302 : vector<56x128xf32>
    %jit3A_304 = arith.constant 0.000000e+00 : f32
    %broadcast_in_dim3A_305 = vector.broadcast %jit3A_304 : f32 to vector<56x128xf32>
    %select_n3A_306 = arith.select %gt3A_297, %exp3A_303, %broadcast_in_dim3A_305 : vector<56x128xi1>, vector<56x128xf32>
    %reduce_sum3A_307 = arith.constant dense<0.000000e+00> : vector<128xf32>
    %reduce_sum3A_308 = vector.multi_reduction <add>, %select_n3A_306, %reduce_sum3A_307 [0] : vector<56x128xf32> to vector<128xf32>
    %broadcast_in_dim3A_309 = vector.shape_cast %reduce_sum3A_308 : vector<128xf32> to vector<1x128xf32>
    %sub3A_310 = arith.constant 1.000000e+00 : f32
    %sub3A_311 = vector.broadcast %sub3A_310 : f32 to vector<1x128xf32>
    %sub3A_312 = arith.subf %broadcast_in_dim3A_309, %sub3A_311 : vector<1x128xf32>
    %gt3A_313 = arith.constant 0.000000e+00 : f32
    %gt3A_314 = vector.broadcast %gt3A_313 : f32 to vector<1x128xf32>
    %gt3A_315 = arith.cmpf ogt, %sub3A_312, %gt3A_314 : vector<1x128xf32>
    %select_n3A_316 = arith.select %gt3A_315, %mul3A_292, %select_n3A_287 : vector<1x128xi1>, vector<1x128xf32>
    %select_n3A_317 = arith.select %gt3A_315, %select_n3A_288, %mul3A_292 : vector<1x128xi1>, vector<1x128xf32>
    %add3A_318 = arith.addf %select_n3A_316, %select_n3A_317 : vector<1x128xf32>
    %mul3A_319 = arith.constant 5.000000e-01 : f32
    %mul3A_320 = vector.broadcast %mul3A_319 : f32 to vector<1x128xf32>
    %mul3A_321 = arith.mulf %mul3A_320, %add3A_318 : vector<1x128xf32>
    %sub3A_322 = vector.broadcast %mul3A_321 : vector<1x128xf32> to vector<56x128xf32>
    %sub3A_323 = arith.subf %mul3A_165, %sub3A_322 : vector<56x128xf32>
    %gt3A_324 = arith.constant 0.000000e+00 : f32
    %gt3A_325 = vector.broadcast %gt3A_324 : f32 to vector<56x128xf32>
    %gt3A_326 = arith.cmpf ogt, %sub3A_323, %gt3A_325 : vector<56x128xf32>
    %jit3A_327 = arith.constant 1.000000e+00 : f32
    %broadcast_in_dim3A_328 = vector.broadcast %jit3A_327 : f32 to vector<56x128xf32>
    %select_n3A_329 = arith.select %gt3A_326, %sub3A_323, %broadcast_in_dim3A_328 : vector<56x128xi1>, vector<56x128xf32>
    %log3A_330 = math.log %select_n3A_329 : vector<56x128xf32>
    %mul3A_331 = arith.mulf %div3A_168, %log3A_330 : vector<56x128xf32>
    %exp3A_332 = math.exp %mul3A_331 : vector<56x128xf32>
    %jit3A_333 = arith.constant 0.000000e+00 : f32
    %broadcast_in_dim3A_334 = vector.broadcast %jit3A_333 : f32 to vector<56x128xf32>
    %select_n3A_335 = arith.select %gt3A_326, %exp3A_332, %broadcast_in_dim3A_334 : vector<56x128xi1>, vector<56x128xf32>
    %reduce_sum3A_336 = arith.constant dense<0.000000e+00> : vector<128xf32>
    %reduce_sum3A_337 = vector.multi_reduction <add>, %select_n3A_335, %reduce_sum3A_336 [0] : vector<56x128xf32> to vector<128xf32>
    %broadcast_in_dim3A_338 = vector.shape_cast %reduce_sum3A_337 : vector<128xf32> to vector<1x128xf32>
    %sub3A_339 = arith.constant 1.000000e+00 : f32
    %sub3A_340 = vector.broadcast %sub3A_339 : f32 to vector<1x128xf32>
    %sub3A_341 = arith.subf %broadcast_in_dim3A_338, %sub3A_340 : vector<1x128xf32>
    %gt3A_342 = arith.constant 0.000000e+00 : f32
    %gt3A_343 = vector.broadcast %gt3A_342 : f32 to vector<1x128xf32>
    %gt3A_344 = arith.cmpf ogt, %sub3A_341, %gt3A_343 : vector<1x128xf32>
    %select_n3A_345 = arith.select %gt3A_344, %mul3A_321, %select_n3A_316 : vector<1x128xi1>, vector<1x128xf32>
    %select_n3A_346 = arith.select %gt3A_344, %select_n3A_317, %mul3A_321 : vector<1x128xi1>, vector<1x128xf32>
    %add3A_347 = arith.addf %select_n3A_345, %select_n3A_346 : vector<1x128xf32>
    %mul3A_348 = arith.constant 5.000000e-01 : f32
    %mul3A_349 = vector.broadcast %mul3A_348 : f32 to vector<1x128xf32>
    %mul3A_350 = arith.mulf %mul3A_349, %add3A_347 : vector<1x128xf32>
    %sub3A_351 = vector.broadcast %mul3A_350 : vector<1x128xf32> to vector<56x128xf32>
    %sub3A_352 = arith.subf %mul3A_165, %sub3A_351 : vector<56x128xf32>
    %gt3A_353 = arith.constant 0.000000e+00 : f32
    %gt3A_354 = vector.broadcast %gt3A_353 : f32 to vector<56x128xf32>
    %gt3A_355 = arith.cmpf ogt, %sub3A_352, %gt3A_354 : vector<56x128xf32>
    %jit3A_356 = arith.constant 1.000000e+00 : f32
    %broadcast_in_dim3A_357 = vector.broadcast %jit3A_356 : f32 to vector<56x128xf32>
    %select_n3A_358 = arith.select %gt3A_355, %sub3A_352, %broadcast_in_dim3A_357 : vector<56x128xi1>, vector<56x128xf32>
    %log3A_359 = math.log %select_n3A_358 : vector<56x128xf32>
    %mul3A_360 = arith.mulf %div3A_168, %log3A_359 : vector<56x128xf32>
    %exp3A_361 = math.exp %mul3A_360 : vector<56x128xf32>
    %jit3A_362 = arith.constant 0.000000e+00 : f32
    %broadcast_in_dim3A_363 = vector.broadcast %jit3A_362 : f32 to vector<56x128xf32>
    %select_n3A_364 = arith.select %gt3A_355, %exp3A_361, %broadcast_in_dim3A_363 : vector<56x128xi1>, vector<56x128xf32>
    %reduce_sum3A_365 = arith.constant dense<0.000000e+00> : vector<128xf32>
    %reduce_sum3A_366 = vector.multi_reduction <add>, %select_n3A_364, %reduce_sum3A_365 [0] : vector<56x128xf32> to vector<128xf32>
    %broadcast_in_dim3A_367 = vector.shape_cast %reduce_sum3A_366 : vector<128xf32> to vector<1x128xf32>
    %sub3A_368 = arith.constant 1.000000e+00 : f32
    %sub3A_369 = vector.broadcast %sub3A_368 : f32 to vector<1x128xf32>
    %sub3A_370 = arith.subf %broadcast_in_dim3A_367, %sub3A_369 : vector<1x128xf32>
    %gt3A_371 = arith.constant 0.000000e+00 : f32
    %gt3A_372 = vector.broadcast %gt3A_371 : f32 to vector<1x128xf32>
    %gt3A_373 = arith.cmpf ogt, %sub3A_370, %gt3A_372 : vector<1x128xf32>
    %select_n3A_374 = arith.select %gt3A_373, %mul3A_350, %select_n3A_345 : vector<1x128xi1>, vector<1x128xf32>
    %select_n3A_375 = arith.select %gt3A_373, %select_n3A_346, %mul3A_350 : vector<1x128xi1>, vector<1x128xf32>
    %add3A_376 = arith.addf %select_n3A_374, %select_n3A_375 : vector<1x128xf32>
    %mul3A_377 = arith.constant 5.000000e-01 : f32
    %mul3A_378 = vector.broadcast %mul3A_377 : f32 to vector<1x128xf32>
    %mul3A_379 = arith.mulf %mul3A_378, %add3A_376 : vector<1x128xf32>
    %sub3A_380 = vector.broadcast %mul3A_379 : vector<1x128xf32> to vector<56x128xf32>
    %sub3A_381 = arith.subf %mul3A_165, %sub3A_380 : vector<56x128xf32>
    %gt3A_382 = arith.constant 0.000000e+00 : f32
    %gt3A_383 = vector.broadcast %gt3A_382 : f32 to vector<56x128xf32>
    %gt3A_384 = arith.cmpf ogt, %sub3A_381, %gt3A_383 : vector<56x128xf32>
    %jit3A_385 = arith.constant 1.000000e+00 : f32
    %broadcast_in_dim3A_386 = vector.broadcast %jit3A_385 : f32 to vector<56x128xf32>
    %select_n3A_387 = arith.select %gt3A_384, %sub3A_381, %broadcast_in_dim3A_386 : vector<56x128xi1>, vector<56x128xf32>
    %log3A_388 = math.log %select_n3A_387 : vector<56x128xf32>
    %mul3A_389 = arith.mulf %div3A_168, %log3A_388 : vector<56x128xf32>
    %exp3A_390 = math.exp %mul3A_389 : vector<56x128xf32>
    %jit3A_391 = arith.constant 0.000000e+00 : f32
    %broadcast_in_dim3A_392 = vector.broadcast %jit3A_391 : f32 to vector<56x128xf32>
    %select_n3A_393 = arith.select %gt3A_384, %exp3A_390, %broadcast_in_dim3A_392 : vector<56x128xi1>, vector<56x128xf32>
    %reduce_sum3A_394 = arith.constant dense<0.000000e+00> : vector<128xf32>
    %reduce_sum3A_395 = vector.multi_reduction <add>, %select_n3A_393, %reduce_sum3A_394 [0] : vector<56x128xf32> to vector<128xf32>
    %broadcast_in_dim3A_396 = vector.shape_cast %reduce_sum3A_395 : vector<128xf32> to vector<1x128xf32>
    %sub3A_397 = arith.constant 1.000000e+00 : f32
    %sub3A_398 = vector.broadcast %sub3A_397 : f32 to vector<1x128xf32>
    %sub3A_399 = arith.subf %broadcast_in_dim3A_396, %sub3A_398 : vector<1x128xf32>
    %gt3A_400 = arith.constant 0.000000e+00 : f32
    %gt3A_401 = vector.broadcast %gt3A_400 : f32 to vector<1x128xf32>
    %gt3A_402 = arith.cmpf ogt, %sub3A_399, %gt3A_401 : vector<1x128xf32>
    %select_n3A_403 = arith.select %gt3A_402, %mul3A_379, %select_n3A_374 : vector<1x128xi1>, vector<1x128xf32>
    %select_n3A_404 = arith.select %gt3A_402, %select_n3A_375, %mul3A_379 : vector<1x128xi1>, vector<1x128xf32>
    %add3A_405 = arith.addf %select_n3A_403, %select_n3A_404 : vector<1x128xf32>
    %mul3A_406 = arith.constant 5.000000e-01 : f32
    %mul3A_407 = vector.broadcast %mul3A_406 : f32 to vector<1x128xf32>
    %mul3A_408 = arith.mulf %mul3A_407, %add3A_405 : vector<1x128xf32>
    %sub3A_409 = vector.broadcast %mul3A_408 : vector<1x128xf32> to vector<56x128xf32>
    %sub3A_410 = arith.subf %mul3A_165, %sub3A_409 : vector<56x128xf32>
    %gt3A_411 = arith.constant 0.000000e+00 : f32
    %gt3A_412 = vector.broadcast %gt3A_411 : f32 to vector<56x128xf32>
    %gt3A_413 = arith.cmpf ogt, %sub3A_410, %gt3A_412 : vector<56x128xf32>
    %jit3A_414 = arith.constant 1.000000e+00 : f32
    %broadcast_in_dim3A_415 = vector.broadcast %jit3A_414 : f32 to vector<56x128xf32>
    %select_n3A_416 = arith.select %gt3A_413, %sub3A_410, %broadcast_in_dim3A_415 : vector<56x128xi1>, vector<56x128xf32>
    %log3A_417 = math.log %select_n3A_416 : vector<56x128xf32>
    %mul3A_418 = arith.mulf %div3A_168, %log3A_417 : vector<56x128xf32>
    %exp3A_419 = math.exp %mul3A_418 : vector<56x128xf32>
    %jit3A_420 = arith.constant 0.000000e+00 : f32
    %broadcast_in_dim3A_421 = vector.broadcast %jit3A_420 : f32 to vector<56x128xf32>
    %select_n3A_422 = arith.select %gt3A_413, %exp3A_419, %broadcast_in_dim3A_421 : vector<56x128xi1>, vector<56x128xf32>
    %reduce_sum3A_423 = arith.constant dense<0.000000e+00> : vector<128xf32>
    %reduce_sum3A_424 = vector.multi_reduction <add>, %select_n3A_422, %reduce_sum3A_423 [0] : vector<56x128xf32> to vector<128xf32>
    %broadcast_in_dim3A_425 = vector.shape_cast %reduce_sum3A_424 : vector<128xf32> to vector<1x128xf32>
    %sub3A_426 = arith.constant 1.000000e+00 : f32
    %sub3A_427 = vector.broadcast %sub3A_426 : f32 to vector<1x128xf32>
    %sub3A_428 = arith.subf %broadcast_in_dim3A_425, %sub3A_427 : vector<1x128xf32>
    %gt3A_429 = arith.constant 0.000000e+00 : f32
    %gt3A_430 = vector.broadcast %gt3A_429 : f32 to vector<1x128xf32>
    %gt3A_431 = arith.cmpf ogt, %sub3A_428, %gt3A_430 : vector<1x128xf32>
    %select_n3A_432 = arith.select %gt3A_431, %mul3A_408, %select_n3A_403 : vector<1x128xi1>, vector<1x128xf32>
    %select_n3A_433 = arith.select %gt3A_431, %select_n3A_404, %mul3A_408 : vector<1x128xi1>, vector<1x128xf32>
    %add3A_434 = arith.addf %select_n3A_432, %select_n3A_433 : vector<1x128xf32>
    %mul3A_435 = arith.constant 5.000000e-01 : f32
    %mul3A_436 = vector.broadcast %mul3A_435 : f32 to vector<1x128xf32>
    %mul3A_437 = arith.mulf %mul3A_436, %add3A_434 : vector<1x128xf32>
    %sub3A_438 = vector.broadcast %mul3A_437 : vector<1x128xf32> to vector<56x128xf32>
    %sub3A_439 = arith.subf %mul3A_165, %sub3A_438 : vector<56x128xf32>
    %gt3A_440 = arith.constant 0.000000e+00 : f32
    %gt3A_441 = vector.broadcast %gt3A_440 : f32 to vector<56x128xf32>
    %gt3A_442 = arith.cmpf ogt, %sub3A_439, %gt3A_441 : vector<56x128xf32>
    %jit3A_443 = arith.constant 1.000000e+00 : f32
    %broadcast_in_dim3A_444 = vector.broadcast %jit3A_443 : f32 to vector<56x128xf32>
    %select_n3A_445 = arith.select %gt3A_442, %sub3A_439, %broadcast_in_dim3A_444 : vector<56x128xi1>, vector<56x128xf32>
    %log3A_446 = math.log %select_n3A_445 : vector<56x128xf32>
    %mul3A_447 = arith.mulf %div3A_168, %log3A_446 : vector<56x128xf32>
    %exp3A_448 = math.exp %mul3A_447 : vector<56x128xf32>
    %jit3A_449 = arith.constant 0.000000e+00 : f32
    %broadcast_in_dim3A_450 = vector.broadcast %jit3A_449 : f32 to vector<56x128xf32>
    %select_n3A_451 = arith.select %gt3A_442, %exp3A_448, %broadcast_in_dim3A_450 : vector<56x128xi1>, vector<56x128xf32>
    %reduce_sum3A_452 = arith.constant dense<0.000000e+00> : vector<128xf32>
    %reduce_sum3A_453 = vector.multi_reduction <add>, %select_n3A_451, %reduce_sum3A_452 [0] : vector<56x128xf32> to vector<128xf32>
    %broadcast_in_dim3A_454 = vector.shape_cast %reduce_sum3A_453 : vector<128xf32> to vector<1x128xf32>
    %sub3A_455 = arith.constant 1.000000e+00 : f32
    %sub3A_456 = vector.broadcast %sub3A_455 : f32 to vector<1x128xf32>
    %sub3A_457 = arith.subf %broadcast_in_dim3A_454, %sub3A_456 : vector<1x128xf32>
    %gt3A_458 = arith.constant 0.000000e+00 : f32
    %gt3A_459 = vector.broadcast %gt3A_458 : f32 to vector<1x128xf32>
    %gt3A_460 = arith.cmpf ogt, %sub3A_457, %gt3A_459 : vector<1x128xf32>
    %select_n3A_461 = arith.select %gt3A_460, %mul3A_437, %select_n3A_432 : vector<1x128xi1>, vector<1x128xf32>
    %select_n3A_462 = arith.select %gt3A_460, %select_n3A_433, %mul3A_437 : vector<1x128xi1>, vector<1x128xf32>
    %add3A_463 = arith.addf %select_n3A_461, %select_n3A_462 : vector<1x128xf32>
    %mul3A_464 = arith.constant 5.000000e-01 : f32
    %mul3A_465 = vector.broadcast %mul3A_464 : f32 to vector<1x128xf32>
    %mul3A_466 = arith.mulf %mul3A_465, %add3A_463 : vector<1x128xf32>
    %sub3A_467 = vector.broadcast %mul3A_466 : vector<1x128xf32> to vector<56x128xf32>
    %sub3A_468 = arith.subf %mul3A_165, %sub3A_467 : vector<56x128xf32>
    %gt3A_469 = arith.constant 0.000000e+00 : f32
    %gt3A_470 = vector.broadcast %gt3A_469 : f32 to vector<56x128xf32>
    %gt3A_471 = arith.cmpf ogt, %sub3A_468, %gt3A_470 : vector<56x128xf32>
    %jit3A_472 = arith.constant 1.000000e+00 : f32
    %broadcast_in_dim3A_473 = vector.broadcast %jit3A_472 : f32 to vector<56x128xf32>
    %select_n3A_474 = arith.select %gt3A_471, %sub3A_468, %broadcast_in_dim3A_473 : vector<56x128xi1>, vector<56x128xf32>
    %log3A_475 = math.log %select_n3A_474 : vector<56x128xf32>
    %mul3A_476 = arith.mulf %div3A_168, %log3A_475 : vector<56x128xf32>
    %exp3A_477 = math.exp %mul3A_476 : vector<56x128xf32>
    %jit3A_478 = arith.constant 0.000000e+00 : f32
    %broadcast_in_dim3A_479 = vector.broadcast %jit3A_478 : f32 to vector<56x128xf32>
    %select_n3A_480 = arith.select %gt3A_471, %exp3A_477, %broadcast_in_dim3A_479 : vector<56x128xi1>, vector<56x128xf32>
    %reduce_sum3A_481 = arith.constant dense<0.000000e+00> : vector<128xf32>
    %reduce_sum3A_482 = vector.multi_reduction <add>, %select_n3A_480, %reduce_sum3A_481 [0] : vector<56x128xf32> to vector<128xf32>
    %broadcast_in_dim3A_483 = vector.shape_cast %reduce_sum3A_482 : vector<128xf32> to vector<1x128xf32>
    %sub3A_484 = arith.constant 1.000000e+00 : f32
    %sub3A_485 = vector.broadcast %sub3A_484 : f32 to vector<1x128xf32>
    %sub3A_486 = arith.subf %broadcast_in_dim3A_483, %sub3A_485 : vector<1x128xf32>
    %gt3A_487 = arith.constant 0.000000e+00 : f32
    %gt3A_488 = vector.broadcast %gt3A_487 : f32 to vector<1x128xf32>
    %gt3A_489 = arith.cmpf ogt, %sub3A_486, %gt3A_488 : vector<1x128xf32>
    %select_n3A_490 = arith.select %gt3A_489, %mul3A_466, %select_n3A_461 : vector<1x128xi1>, vector<1x128xf32>
    %select_n3A_491 = arith.select %gt3A_489, %select_n3A_462, %mul3A_466 : vector<1x128xi1>, vector<1x128xf32>
    %add3A_492 = arith.addf %select_n3A_490, %select_n3A_491 : vector<1x128xf32>
    %mul3A_493 = arith.constant 5.000000e-01 : f32
    %mul3A_494 = vector.broadcast %mul3A_493 : f32 to vector<1x128xf32>
    %mul3A_495 = arith.mulf %mul3A_494, %add3A_492 : vector<1x128xf32>
    %sub3A_496 = vector.broadcast %mul3A_495 : vector<1x128xf32> to vector<56x128xf32>
    %sub3A_497 = arith.subf %mul3A_165, %sub3A_496 : vector<56x128xf32>
    %gt3A_498 = arith.constant 0.000000e+00 : f32
    %gt3A_499 = vector.broadcast %gt3A_498 : f32 to vector<56x128xf32>
    %gt3A_500 = arith.cmpf ogt, %sub3A_497, %gt3A_499 : vector<56x128xf32>
    %jit3A_501 = arith.constant 1.000000e+00 : f32
    %broadcast_in_dim3A_502 = vector.broadcast %jit3A_501 : f32 to vector<56x128xf32>
    %select_n3A_503 = arith.select %gt3A_500, %sub3A_497, %broadcast_in_dim3A_502 : vector<56x128xi1>, vector<56x128xf32>
    %log3A_504 = math.log %select_n3A_503 : vector<56x128xf32>
    %mul3A_505 = arith.mulf %div3A_168, %log3A_504 : vector<56x128xf32>
    %exp3A_506 = math.exp %mul3A_505 : vector<56x128xf32>
    %jit3A_507 = arith.constant 0.000000e+00 : f32
    %broadcast_in_dim3A_508 = vector.broadcast %jit3A_507 : f32 to vector<56x128xf32>
    %select_n3A_509 = arith.select %gt3A_500, %exp3A_506, %broadcast_in_dim3A_508 : vector<56x128xi1>, vector<56x128xf32>
    %reduce_sum3A_510 = arith.constant dense<0.000000e+00> : vector<128xf32>
    %reduce_sum3A_511 = vector.multi_reduction <add>, %select_n3A_509, %reduce_sum3A_510 [0] : vector<56x128xf32> to vector<128xf32>
    %broadcast_in_dim3A_512 = vector.shape_cast %reduce_sum3A_511 : vector<128xf32> to vector<1x128xf32>
    %sub3A_513 = arith.constant 1.000000e+00 : f32
    %sub3A_514 = vector.broadcast %sub3A_513 : f32 to vector<1x128xf32>
    %sub3A_515 = arith.subf %broadcast_in_dim3A_512, %sub3A_514 : vector<1x128xf32>
    %gt3A_516 = arith.constant 0.000000e+00 : f32
    %gt3A_517 = vector.broadcast %gt3A_516 : f32 to vector<1x128xf32>
    %gt3A_518 = arith.cmpf ogt, %sub3A_515, %gt3A_517 : vector<1x128xf32>
    %select_n3A_519 = arith.select %gt3A_518, %mul3A_495, %select_n3A_490 : vector<1x128xi1>, vector<1x128xf32>
    %select_n3A_520 = arith.select %gt3A_518, %select_n3A_491, %mul3A_495 : vector<1x128xi1>, vector<1x128xf32>
    %add3A_521 = arith.addf %select_n3A_519, %select_n3A_520 : vector<1x128xf32>
    %mul3A_522 = arith.constant 5.000000e-01 : f32
    %mul3A_523 = vector.broadcast %mul3A_522 : f32 to vector<1x128xf32>
    %mul3A_524 = arith.mulf %mul3A_523, %add3A_521 : vector<1x128xf32>
    %sub3A_525 = vector.broadcast %mul3A_524 : vector<1x128xf32> to vector<56x128xf32>
    %sub3A_526 = arith.subf %mul3A_165, %sub3A_525 : vector<56x128xf32>
    %gt3A_527 = arith.constant 0.000000e+00 : f32
    %gt3A_528 = vector.broadcast %gt3A_527 : f32 to vector<56x128xf32>
    %gt3A_529 = arith.cmpf ogt, %sub3A_526, %gt3A_528 : vector<56x128xf32>
    %jit3A_530 = arith.constant 1.000000e+00 : f32
    %broadcast_in_dim3A_531 = vector.broadcast %jit3A_530 : f32 to vector<56x128xf32>
    %select_n3A_532 = arith.select %gt3A_529, %sub3A_526, %broadcast_in_dim3A_531 : vector<56x128xi1>, vector<56x128xf32>
    %log3A_533 = math.log %select_n3A_532 : vector<56x128xf32>
    %mul3A_534 = arith.mulf %div3A_168, %log3A_533 : vector<56x128xf32>
    %exp3A_535 = math.exp %mul3A_534 : vector<56x128xf32>
    %jit3A_536 = arith.constant 0.000000e+00 : f32
    %broadcast_in_dim3A_537 = vector.broadcast %jit3A_536 : f32 to vector<56x128xf32>
    %select_n3A_538 = arith.select %gt3A_529, %exp3A_535, %broadcast_in_dim3A_537 : vector<56x128xi1>, vector<56x128xf32>
    %reduce_sum3A_539 = arith.constant dense<0.000000e+00> : vector<128xf32>
    %reduce_sum3A_540 = vector.multi_reduction <add>, %select_n3A_538, %reduce_sum3A_539 [0] : vector<56x128xf32> to vector<128xf32>
    %broadcast_in_dim3A_541 = vector.shape_cast %reduce_sum3A_540 : vector<128xf32> to vector<1x128xf32>
    %sub3A_542 = arith.constant 1.000000e+00 : f32
    %sub3A_543 = vector.broadcast %sub3A_542 : f32 to vector<1x128xf32>
    %sub3A_544 = arith.subf %broadcast_in_dim3A_541, %sub3A_543 : vector<1x128xf32>
    %gt3A_545 = arith.constant 0.000000e+00 : f32
    %gt3A_546 = vector.broadcast %gt3A_545 : f32 to vector<1x128xf32>
    %gt3A_547 = arith.cmpf ogt, %sub3A_544, %gt3A_546 : vector<1x128xf32>
    %select_n3A_548 = arith.select %gt3A_547, %mul3A_524, %select_n3A_519 : vector<1x128xi1>, vector<1x128xf32>
    %select_n3A_549 = arith.select %gt3A_547, %select_n3A_520, %mul3A_524 : vector<1x128xi1>, vector<1x128xf32>
    %add3A_550 = arith.addf %select_n3A_548, %select_n3A_549 : vector<1x128xf32>
    %mul3A_551 = arith.constant 5.000000e-01 : f32
    %mul3A_552 = vector.broadcast %mul3A_551 : f32 to vector<1x128xf32>
    %mul3A_553 = arith.mulf %mul3A_552, %add3A_550 : vector<1x128xf32>
    %sub3A_554 = vector.broadcast %mul3A_553 : vector<1x128xf32> to vector<56x128xf32>
    %sub3A_555 = arith.subf %mul3A_165, %sub3A_554 : vector<56x128xf32>
    %gt3A_556 = arith.constant 0.000000e+00 : f32
    %gt3A_557 = vector.broadcast %gt3A_556 : f32 to vector<56x128xf32>
    %gt3A_558 = arith.cmpf ogt, %sub3A_555, %gt3A_557 : vector<56x128xf32>
    %jit3A_559 = arith.constant 1.000000e+00 : f32
    %broadcast_in_dim3A_560 = vector.broadcast %jit3A_559 : f32 to vector<56x128xf32>
    %select_n3A_561 = arith.select %gt3A_558, %sub3A_555, %broadcast_in_dim3A_560 : vector<56x128xi1>, vector<56x128xf32>
    %log3A_562 = math.log %select_n3A_561 : vector<56x128xf32>
    %mul3A_563 = arith.mulf %div3A_168, %log3A_562 : vector<56x128xf32>
    %exp3A_564 = math.exp %mul3A_563 : vector<56x128xf32>
    %jit3A_565 = arith.constant 0.000000e+00 : f32
    %broadcast_in_dim3A_566 = vector.broadcast %jit3A_565 : f32 to vector<56x128xf32>
    %select_n3A_567 = arith.select %gt3A_558, %exp3A_564, %broadcast_in_dim3A_566 : vector<56x128xi1>, vector<56x128xf32>
    %reduce_sum3A_568 = arith.constant dense<0.000000e+00> : vector<128xf32>
    %reduce_sum3A_569 = vector.multi_reduction <add>, %select_n3A_567, %reduce_sum3A_568 [0] : vector<56x128xf32> to vector<128xf32>
    %broadcast_in_dim3A_570 = vector.shape_cast %reduce_sum3A_569 : vector<128xf32> to vector<1x128xf32>
    %sub3A_571 = arith.constant 1.000000e+00 : f32
    %sub3A_572 = vector.broadcast %sub3A_571 : f32 to vector<1x128xf32>
    %sub3A_573 = arith.subf %broadcast_in_dim3A_570, %sub3A_572 : vector<1x128xf32>
    %gt3A_574 = arith.constant 0.000000e+00 : f32
    %gt3A_575 = vector.broadcast %gt3A_574 : f32 to vector<1x128xf32>
    %gt3A_576 = arith.cmpf ogt, %sub3A_573, %gt3A_575 : vector<1x128xf32>
    %select_n3A_577 = arith.select %gt3A_576, %mul3A_553, %select_n3A_548 : vector<1x128xi1>, vector<1x128xf32>
    %select_n3A_578 = arith.select %gt3A_576, %select_n3A_549, %mul3A_553 : vector<1x128xi1>, vector<1x128xf32>
    %add3A_579 = arith.addf %select_n3A_577, %select_n3A_578 : vector<1x128xf32>
    %mul3A_580 = arith.constant 5.000000e-01 : f32
    %mul3A_581 = vector.broadcast %mul3A_580 : f32 to vector<1x128xf32>
    %mul3A_582 = arith.mulf %mul3A_581, %add3A_579 : vector<1x128xf32>
    %sub3A_583 = vector.broadcast %mul3A_582 : vector<1x128xf32> to vector<56x128xf32>
    %sub3A_584 = arith.subf %mul3A_165, %sub3A_583 : vector<56x128xf32>
    %gt3A_585 = arith.constant 0.000000e+00 : f32
    %gt3A_586 = vector.broadcast %gt3A_585 : f32 to vector<56x128xf32>
    %gt3A_587 = arith.cmpf ogt, %sub3A_584, %gt3A_586 : vector<56x128xf32>
    %jit3A_588 = arith.constant 1.000000e+00 : f32
    %broadcast_in_dim3A_589 = vector.broadcast %jit3A_588 : f32 to vector<56x128xf32>
    %select_n3A_590 = arith.select %gt3A_587, %sub3A_584, %broadcast_in_dim3A_589 : vector<56x128xi1>, vector<56x128xf32>
    %log3A_591 = math.log %select_n3A_590 : vector<56x128xf32>
    %mul3A_592 = arith.mulf %div3A_168, %log3A_591 : vector<56x128xf32>
    %exp3A_593 = math.exp %mul3A_592 : vector<56x128xf32>
    %jit3A_594 = arith.constant 0.000000e+00 : f32
    %broadcast_in_dim3A_595 = vector.broadcast %jit3A_594 : f32 to vector<56x128xf32>
    %select_n3A_596 = arith.select %gt3A_587, %exp3A_593, %broadcast_in_dim3A_595 : vector<56x128xi1>, vector<56x128xf32>
    %reduce_sum3A_597 = arith.constant dense<0.000000e+00> : vector<128xf32>
    %reduce_sum3A_598 = vector.multi_reduction <add>, %select_n3A_596, %reduce_sum3A_597 [0] : vector<56x128xf32> to vector<128xf32>
    %broadcast_in_dim3A_599 = vector.shape_cast %reduce_sum3A_598 : vector<128xf32> to vector<1x128xf32>
    %sub3A_600 = arith.constant 1.000000e+00 : f32
    %sub3A_601 = vector.broadcast %sub3A_600 : f32 to vector<1x128xf32>
    %sub3A_602 = arith.subf %broadcast_in_dim3A_599, %sub3A_601 : vector<1x128xf32>
    %gt3A_603 = arith.constant 0.000000e+00 : f32
    %gt3A_604 = vector.broadcast %gt3A_603 : f32 to vector<1x128xf32>
    %gt3A_605 = arith.cmpf ogt, %sub3A_602, %gt3A_604 : vector<1x128xf32>
    %select_n3A_606 = arith.select %gt3A_605, %mul3A_582, %select_n3A_577 : vector<1x128xi1>, vector<1x128xf32>
    %select_n3A_607 = arith.select %gt3A_605, %select_n3A_578, %mul3A_582 : vector<1x128xi1>, vector<1x128xf32>
    %add3A_608 = arith.addf %select_n3A_606, %select_n3A_607 : vector<1x128xf32>
    %mul3A_609 = arith.constant 5.000000e-01 : f32
    %mul3A_610 = vector.broadcast %mul3A_609 : f32 to vector<1x128xf32>
    %mul3A_611 = arith.mulf %mul3A_610, %add3A_608 : vector<1x128xf32>
    %sub3A_612 = vector.broadcast %mul3A_611 : vector<1x128xf32> to vector<56x128xf32>
    %sub3A_613 = arith.subf %mul3A_165, %sub3A_612 : vector<56x128xf32>
    %gt3A_614 = arith.constant 0.000000e+00 : f32
    %gt3A_615 = vector.broadcast %gt3A_614 : f32 to vector<56x128xf32>
    %gt3A_616 = arith.cmpf ogt, %sub3A_613, %gt3A_615 : vector<56x128xf32>
    %jit3A_617 = arith.constant 1.000000e+00 : f32
    %broadcast_in_dim3A_618 = vector.broadcast %jit3A_617 : f32 to vector<56x128xf32>
    %select_n3A_619 = arith.select %gt3A_616, %sub3A_613, %broadcast_in_dim3A_618 : vector<56x128xi1>, vector<56x128xf32>
    %log3A_620 = math.log %select_n3A_619 : vector<56x128xf32>
    %mul3A_621 = arith.mulf %div3A_168, %log3A_620 : vector<56x128xf32>
    %exp3A_622 = math.exp %mul3A_621 : vector<56x128xf32>
    %jit3A_623 = arith.constant 0.000000e+00 : f32
    %broadcast_in_dim3A_624 = vector.broadcast %jit3A_623 : f32 to vector<56x128xf32>
    %select_n3A_625 = arith.select %gt3A_616, %exp3A_622, %broadcast_in_dim3A_624 : vector<56x128xi1>, vector<56x128xf32>
    %reduce_sum3A_626 = arith.constant dense<0.000000e+00> : vector<128xf32>
    %reduce_sum3A_627 = vector.multi_reduction <add>, %select_n3A_625, %reduce_sum3A_626 [0] : vector<56x128xf32> to vector<128xf32>
    %broadcast_in_dim3A_628 = vector.shape_cast %reduce_sum3A_627 : vector<128xf32> to vector<1x128xf32>
    %sub3A_629 = arith.constant 1.000000e+00 : f32
    %sub3A_630 = vector.broadcast %sub3A_629 : f32 to vector<1x128xf32>
    %sub3A_631 = arith.subf %broadcast_in_dim3A_628, %sub3A_630 : vector<1x128xf32>
    %gt3A_632 = arith.constant 0.000000e+00 : f32
    %gt3A_633 = vector.broadcast %gt3A_632 : f32 to vector<1x128xf32>
    %gt3A_634 = arith.cmpf ogt, %sub3A_631, %gt3A_633 : vector<1x128xf32>
    %select_n3A_635 = arith.select %gt3A_634, %mul3A_611, %select_n3A_606 : vector<1x128xi1>, vector<1x128xf32>
    %select_n3A_636 = arith.select %gt3A_634, %select_n3A_607, %mul3A_611 : vector<1x128xi1>, vector<1x128xf32>
    %add3A_637 = arith.addf %select_n3A_635, %select_n3A_636 : vector<1x128xf32>
    %mul3A_638 = arith.constant 5.000000e-01 : f32
    %mul3A_639 = vector.broadcast %mul3A_638 : f32 to vector<1x128xf32>
    %mul3A_640 = arith.mulf %mul3A_639, %add3A_637 : vector<1x128xf32>
    %sub3A_641 = vector.broadcast %mul3A_640 : vector<1x128xf32> to vector<56x128xf32>
    %sub3A_642 = arith.subf %mul3A_165, %sub3A_641 : vector<56x128xf32>
    %gt3A_643 = arith.constant 0.000000e+00 : f32
    %gt3A_644 = vector.broadcast %gt3A_643 : f32 to vector<56x128xf32>
    %gt3A_645 = arith.cmpf ogt, %sub3A_642, %gt3A_644 : vector<56x128xf32>
    %jit3A_646 = arith.constant 1.000000e+00 : f32
    %broadcast_in_dim3A_647 = vector.broadcast %jit3A_646 : f32 to vector<56x128xf32>
    %select_n3A_648 = arith.select %gt3A_645, %sub3A_642, %broadcast_in_dim3A_647 : vector<56x128xi1>, vector<56x128xf32>
    %log3A_649 = math.log %select_n3A_648 : vector<56x128xf32>
    %mul3A_650 = arith.mulf %div3A_168, %log3A_649 : vector<56x128xf32>
    %exp3A_651 = math.exp %mul3A_650 : vector<56x128xf32>
    %jit3A_652 = arith.constant 0.000000e+00 : f32
    %broadcast_in_dim3A_653 = vector.broadcast %jit3A_652 : f32 to vector<56x128xf32>
    %select_n3A_654 = arith.select %gt3A_645, %exp3A_651, %broadcast_in_dim3A_653 : vector<56x128xi1>, vector<56x128xf32>
    %reduce_sum3A_655 = arith.constant dense<0.000000e+00> : vector<128xf32>
    %reduce_sum3A_656 = vector.multi_reduction <add>, %select_n3A_654, %reduce_sum3A_655 [0] : vector<56x128xf32> to vector<128xf32>
    %broadcast_in_dim3A_657 = vector.shape_cast %reduce_sum3A_656 : vector<128xf32> to vector<1x128xf32>
    %max3A_658 = arith.constant 9.99999996E-13 : f32
    %max3A_659 = vector.broadcast %max3A_658 : f32 to vector<1x128xf32>
    %max3A_660 = arith.maximumf %broadcast_in_dim3A_657, %max3A_659 : vector<1x128xf32>
    %div3A_661 = vector.broadcast %max3A_660 : vector<1x128xf32> to vector<56x128xf32>
    %div3A_662 = arith.divf %select_n3A_654, %div3A_661 : vector<56x128xf32>
    %transpose3A_663 = tpu.transpose %div3A_662, [1, 0] : vector<56x128xf32> -> vector<128x56xf32>
    %broadcast_in_dim3A_664 = vector.shape_cast %transpose3A_663 : vector<128x56xf32> to vector<128x56x1xf32>
    %broadcast_in_dim3A_665 = vector.broadcast %broadcast_in_dim3A_664 : vector<128x56x1xf32> to vector<128x56x64xf32>
    %mul3A_666 = arith.mulf %broadcast_in_dim3A_665, %reshape3A : vector<128x56x64xf32>
    %reduce_sum3A_667 = arith.constant dense<0.000000e+00> : vector<128x64xf32>
    %reduce_sum3A_668 = vector.multi_reduction <add>, %mul3A_666, %reduce_sum3A_667 [1] : vector<128x56x64xf32> to vector<128x64xf32>
    %mul3A_669 = arith.mulf %div3A_49, %div3A_49 : vector<7168x64xf32>
    %reduce_sum3A_670 = arith.constant dense<0.000000e+00> : vector<7168xf32>
    %reduce_sum3A_671 = vector.multi_reduction <add>, %mul3A_669, %reduce_sum3A_670 [1] : vector<7168x64xf32> to vector<7168xf32>
    %broadcast_in_dim3A_672 = vector.shape_cast %reduce_sum3A_671 : vector<7168xf32> to vector<7168x1xf32>
    %sqrt3A_673 = math.sqrt %broadcast_in_dim3A_672 : vector<7168x1xf32>
    %max3A_674 = arith.constant 9.99999996E-13 : f32
    %max3A_675 = vector.broadcast %max3A_674 : f32 to vector<7168x1xf32>
    %max3A_676 = arith.maximumf %sqrt3A_673, %max3A_675 : vector<7168x1xf32>
    %div3A_677 = vector.broadcast %max3A_676 : vector<7168x1xf32> to vector<7168x64xf32>
    %div3A_678 = arith.divf %div3A_49, %div3A_677 : vector<7168x64xf32>
    %mul3A_679 = arith.mulf %reduce_sum3A_668, %reduce_sum3A_668 : vector<128x64xf32>
    %reduce_sum3A_680 = arith.constant dense<0.000000e+00> : vector<128xf32>
    %reduce_sum3A_681 = vector.multi_reduction <add>, %mul3A_679, %reduce_sum3A_680 [1] : vector<128x64xf32> to vector<128xf32>
    %broadcast_in_dim3A_682 = vector.shape_cast %reduce_sum3A_681 : vector<128xf32> to vector<128x1xf32>
    %sqrt3A_683 = math.sqrt %broadcast_in_dim3A_682 : vector<128x1xf32>
    %max3A_684 = arith.constant 9.99999996E-13 : f32
    %max3A_685 = vector.broadcast %max3A_684 : f32 to vector<128x1xf32>
    %max3A_686 = arith.maximumf %sqrt3A_683, %max3A_685 : vector<128x1xf32>
    %div3A_687 = vector.broadcast %max3A_686 : vector<128x1xf32> to vector<128x64xf32>
    %div3A_688 = arith.divf %reduce_sum3A_668, %div3A_687 : vector<128x64xf32>
    %reshape3A_689 = vector.shape_cast %div3A_678 : vector<7168x64xf32> to vector<128x56x64xf32>
    %get3A_690 = arith.constant 1 : index
    %get3A_691 = arith.constant 0 : index
    %get3A_692 = arith.constant 0 : index
    %get3A_693 = vector.load %arg9[%get3A_690, %get3A_691, %get3A_692] : memref<2x128x64xf32, #tpu.memory_space<vmem>>, vector<1x128x64xf32>
    %get3A_694 = vector.shape_cast %get3A_693 : vector<1x128x64xf32> to vector<128x64xf32>
    %slice3A_695 = vector.extract_strided_slice %get3A_694 {offsets = [0, 0], sizes = [64, 64], strides = [1, 1]} : vector<128x64xf32> to vector<64x64xf32>
    %dot_general3A_696 = arith.constant dense<0.000000e+00> : vector<7168x64xf32>
    %dot_general3A_697 = tpu.matmul %div3A_678, %slice3A_695, %dot_general3A_696 {dimension_numbers = #tpu.dot_dimension_numbers<[1], [0], [0], [1], [0, 0, 1, 1], [], []>, transpose_lhs_hint = false} : vector<7168x64xf32>, vector<64x64xf32>, vector<7168x64xf32> -> vector<7168x64xf32>
    %reshape3A_698 = vector.shape_cast %dot_general3A_697 : vector<7168x64xf32> to vector<128x56x64xf32>
    %slice3A_699 = vector.extract_strided_slice %get3A_694 {offsets = [64, 0], sizes = [64, 64], strides = [1, 1]} : vector<128x64xf32> to vector<64x64xf32>
    %dot_general3A_700 = arith.constant dense<0.000000e+00> : vector<128x64xf32>
    %dot_general3A_701 = tpu.matmul %div3A_688, %slice3A_699, %dot_general3A_700 {dimension_numbers = #tpu.dot_dimension_numbers<[1], [0], [0], [1], [0, 0, 1, 1], [], []>, transpose_lhs_hint = false} : vector<128x64xf32>, vector<64x64xf32>, vector<128x64xf32> -> vector<128x64xf32>
    %broadcast_in_dim3A_702 = vector.shape_cast %dot_general3A_701 : vector<128x64xf32> to vector<128x1x64xf32>
    %broadcast_in_dim3A_703 = vector.broadcast %broadcast_in_dim3A_702 : vector<128x1x64xf32> to vector<128x56x64xf32>
    %add3A_704 = arith.addf %reshape3A_698, %broadcast_in_dim3A_703 : vector<128x56x64xf32>
    %get3A_705 = arith.constant 1 : index
    %get3A_706 = arith.constant 0 : index
    %get3A_707 = vector.load %arg10[%get3A_705, %get3A_706] : memref<2x64xf32, #tpu.memory_space<vmem>>, vector<1x64xf32>
    %get3A_708 = vector.shape_cast %get3A_707 : vector<1x64xf32> to vector<64xf32>
    %broadcast_in_dim3A_709 = vector.shape_cast %get3A_708 : vector<64xf32> to vector<1x1x64xf32>
    %broadcast_in_dim3A_710 = vector.broadcast %broadcast_in_dim3A_709 : vector<1x1x64xf32> to vector<128x56x64xf32>
    %add3A_711 = arith.addf %add3A_704, %broadcast_in_dim3A_710 : vector<128x56x64xf32>
    %gt3A_712 = arith.constant 0.000000e+00 : f32
    %gt3A_713 = vector.broadcast %gt3A_712 : f32 to vector<128x56x64xf32>
    %gt3A_714 = arith.cmpf ogt, %add3A_711, %gt3A_713 : vector<128x56x64xf32>
    %exp3A_715 = math.exp %add3A_711 : vector<128x56x64xf32>
    %sub3A_716 = arith.constant 1.000000e+00 : f32
    %sub3A_717 = vector.broadcast %sub3A_716 : f32 to vector<128x56x64xf32>
    %sub3A_718 = arith.subf %exp3A_715, %sub3A_717 : vector<128x56x64xf32>
    %mul3A_719 = arith.constant 1.67326319 : f32
    %mul3A_720 = vector.broadcast %mul3A_719 : f32 to vector<128x56x64xf32>
    %mul3A_721 = arith.mulf %mul3A_720, %sub3A_718 : vector<128x56x64xf32>
    %select_n3A_722 = arith.select %gt3A_714, %add3A_711, %mul3A_721 : vector<128x56x64xi1>, vector<128x56x64xf32>
    %mul3A_723 = arith.constant 1.05070102 : f32
    %mul3A_724 = vector.broadcast %mul3A_723 : f32 to vector<128x56x64xf32>
    %mul3A_725 = arith.mulf %mul3A_724, %select_n3A_722 : vector<128x56x64xf32>
    %reshape3A_726 = vector.shape_cast %mul3A_725 : vector<128x56x64xf32> to vector<7168x64xf32>
    %get3A_727 = arith.constant 1 : index
    %get3A_728 = arith.constant 0 : index
    %get3A_729 = arith.constant 0 : index
    %get3A_730 = vector.load %arg11[%get3A_727, %get3A_728, %get3A_729] : memref<2x64x16xf32, #tpu.memory_space<vmem>>, vector<1x64x16xf32>
    %get3A_731 = vector.shape_cast %get3A_730 : vector<1x64x16xf32> to vector<64x16xf32>
    %dot_general3A_732 = arith.constant dense<0.000000e+00> : vector<7168x16xf32>
    %dot_general3A_733 = tpu.matmul %reshape3A_726, %get3A_731, %dot_general3A_732 {dimension_numbers = #tpu.dot_dimension_numbers<[1], [0], [0], [1], [0, 0, 1, 1], [], []>, transpose_lhs_hint = false} : vector<7168x64xf32>, vector<64x16xf32>, vector<7168x16xf32> -> vector<7168x16xf32>
    %get3A_734 = arith.constant 1 : index
    %get3A_735 = arith.constant 0 : index
    %get3A_736 = vector.load %arg12[%get3A_734, %get3A_735] : memref<2x16xf32, #tpu.memory_space<vmem>>, vector<1x16xf32>
    %add3A_737 = vector.broadcast %get3A_736 : vector<1x16xf32> to vector<7168x16xf32>
    %add3A_738 = arith.addf %dot_general3A_733, %add3A_737 : vector<7168x16xf32>
    %gt3A_739 = arith.constant 0.000000e+00 : f32
    %gt3A_740 = vector.broadcast %gt3A_739 : f32 to vector<7168x16xf32>
    %gt3A_741 = arith.cmpf ogt, %add3A_738, %gt3A_740 : vector<7168x16xf32>
    %exp3A_742 = math.exp %add3A_738 : vector<7168x16xf32>
    %sub3A_743 = arith.constant 1.000000e+00 : f32
    %sub3A_744 = vector.broadcast %sub3A_743 : f32 to vector<7168x16xf32>
    %sub3A_745 = arith.subf %exp3A_742, %sub3A_744 : vector<7168x16xf32>
    %mul3A_746 = arith.constant 1.67326319 : f32
    %mul3A_747 = vector.broadcast %mul3A_746 : f32 to vector<7168x16xf32>
    %mul3A_748 = arith.mulf %mul3A_747, %sub3A_745 : vector<7168x16xf32>
    %select_n3A_749 = arith.select %gt3A_741, %add3A_738, %mul3A_748 : vector<7168x16xi1>, vector<7168x16xf32>
    %mul3A_750 = arith.constant 1.05070102 : f32
    %mul3A_751 = vector.broadcast %mul3A_750 : f32 to vector<7168x16xf32>
    %mul3A_752 = arith.mulf %mul3A_751, %select_n3A_749 : vector<7168x16xf32>
    %reshape3A_753 = vector.shape_cast %mul3A_752 : vector<7168x16xf32> to vector<128x56x16xf32>
    %get3A_754 = arith.constant 1 : index
    %get3A_755 = arith.constant 0 : index
    %get3A_756 = vector.load %arg13[%get3A_754, %get3A_755] : memref<2x16xf32, #tpu.memory_space<vmem>>, vector<1x16xf32>
    %get3A_757 = vector.shape_cast %get3A_756 : vector<1x16xf32> to vector<16xf32>
    %broadcast_in_dim3A_758 = vector.shape_cast %get3A_757 : vector<16xf32> to vector<1x1x16xf32>
    %broadcast_in_dim3A_759 = vector.broadcast %broadcast_in_dim3A_758 : vector<1x1x16xf32> to vector<128x56x16xf32>
    %mul3A_760 = arith.mulf %reshape3A_753, %broadcast_in_dim3A_759 : vector<128x56x16xf32>
    %reduce_sum3A_761 = arith.constant dense<0.000000e+00> : vector<128x56xf32>
    %reduce_sum3A_762 = vector.multi_reduction <add>, %mul3A_760, %reduce_sum3A_761 [2] : vector<128x56x16xf32> to vector<128x56xf32>
    %get3A_763 = arith.constant 1 : index
    %get3A_764 = arith.constant 0 : index
    %get3A_765 = vector.load %arg14[%get3A_763, %get3A_764] : memref<2x1xf32, #tpu.memory_space<vmem>>, vector<1x1xf32>
    %get3A_766 = vector.extract %get3A_765[0, 0] : f32 from vector<1x1xf32>
    %add3A_767 = vector.broadcast %get3A_766 : f32 to vector<128x56xf32>
    %add3A_768 = arith.addf %reduce_sum3A_762, %add3A_767 : vector<128x56xf32>
    %get3A_769 = arith.constant 1 : index
    %get3A_770 = arith.constant 0 : index
    %get3A_771 = vector.load %arg7[%get3A_769, %get3A_770] : memref<2x64xf32, #tpu.memory_space<vmem>>, vector<1x64xf32>
    %get3A_772 = vector.shape_cast %get3A_771 : vector<1x64xf32> to vector<64xf32>
    %broadcast_in_dim3A_773 = vector.shape_cast %get3A_772 : vector<64xf32> to vector<1x1x64xf32>
    %broadcast_in_dim3A_774 = vector.broadcast %broadcast_in_dim3A_773 : vector<1x1x64xf32> to vector<128x56x64xf32>
    %mul3A_775 = arith.mulf %reshape3A_689, %broadcast_in_dim3A_774 : vector<128x56x64xf32>
    %reduce_sum3A_776 = arith.constant dense<0.000000e+00> : vector<128x56xf32>
    %reduce_sum3A_777 = vector.multi_reduction <add>, %mul3A_775, %reduce_sum3A_776 [2] : vector<128x56x64xf32> to vector<128x56xf32>
    %get3A_778 = arith.constant 1 : index
    %get3A_779 = arith.constant 0 : index
    %get3A_780 = vector.load %arg8[%get3A_778, %get3A_779] : memref<2x1xf32, #tpu.memory_space<vmem>>, vector<1x1xf32>
    %get3A_781 = vector.extract %get3A_780[0, 0] : f32 from vector<1x1xf32>
    %add3A_782 = vector.broadcast %get3A_781 : f32 to vector<128x56xf32>
    %add3A_783 = arith.addf %reduce_sum3A_777, %add3A_782 : vector<128x56xf32>
    %logistic3A_784 = arith.negf %add3A_783 : vector<128x56xf32>
    %logistic3A_785 = math.exp %logistic3A_784 : vector<128x56xf32>
    %logistic3A_786 = arith.constant 1.000000e+00 : f32
    %logistic3A_787 = vector.broadcast %logistic3A_786 : f32 to vector<128x56xf32>
    %logistic3A_788 = arith.addf %logistic3A_787, %logistic3A_785 : vector<128x56xf32>
    %logistic3A_789 = arith.divf %logistic3A_787, %logistic3A_788 : vector<128x56xf32>
    %add3A_790 = arith.constant 1.000000e+00 : f32
    %add3A_791 = vector.broadcast %add3A_790 : f32 to vector<128x56xf32>
    %add3A_792 = arith.addf %logistic3A_789, %add3A_791 : vector<128x56xf32>
    %transpose3A_793 = tpu.transpose %add3A_768, [1, 0] : vector<128x56xf32> -> vector<56x128xf32>
    %jit3A_794 = arith.constant -1.000000e+30 : f32
    %broadcast_in_dim3A_795 = vector.broadcast %jit3A_794 : f32 to vector<56x128xf32>
    %select_n3A_796 = arith.select %lt3A_44, %transpose3A_793, %broadcast_in_dim3A_795 : vector<56x128xi1>, vector<56x128xf32>
    %transpose3A_797 = tpu.transpose %add3A_792, [1, 0] : vector<128x56xf32> -> vector<56x128xf32>
    %sub3A_798 = arith.constant 1.000000e+00 : f32
    %sub3A_799 = vector.broadcast %sub3A_798 : f32 to vector<56x128xf32>
    %sub3A_800 = arith.subf %transpose3A_797, %sub3A_799 : vector<56x128xf32>
    %mul3A_801 = arith.mulf %sub3A_800, %select_n3A_796 : vector<56x128xf32>
    %div3A_802 = arith.constant 1.000000e+00 : f32
    %div3A_803 = vector.broadcast %div3A_802 : f32 to vector<56x128xf32>
    %div3A_804 = arith.divf %div3A_803, %sub3A_800 : vector<56x128xf32>
    %reduce_max3A_805 = arith.constant dense<0xFF800000> : vector<128xf32>
    %reduce_max3A_806 = vector.multi_reduction <maximumf>, %mul3A_801, %reduce_max3A_805 [0] : vector<56x128xf32> to vector<128xf32>
    %broadcast_in_dim3A_807 = vector.shape_cast %reduce_max3A_806 : vector<128xf32> to vector<1x128xf32>
    %sub3A_808 = arith.constant 1.000000e+00 : f32
    %sub3A_809 = vector.broadcast %sub3A_808 : f32 to vector<1x128xf32>
    %sub3A_810 = arith.subf %broadcast_in_dim3A_807, %sub3A_809 : vector<1x128xf32>
    %add3A_811 = arith.addf %sub3A_810, %broadcast_in_dim3A_807 : vector<1x128xf32>
    %mul3A_812 = arith.constant 5.000000e-01 : f32
    %mul3A_813 = vector.broadcast %mul3A_812 : f32 to vector<1x128xf32>
    %mul3A_814 = arith.mulf %mul3A_813, %add3A_811 : vector<1x128xf32>
    %sub3A_815 = vector.broadcast %mul3A_814 : vector<1x128xf32> to vector<56x128xf32>
    %sub3A_816 = arith.subf %mul3A_801, %sub3A_815 : vector<56x128xf32>
    %gt3A_817 = arith.constant 0.000000e+00 : f32
    %gt3A_818 = vector.broadcast %gt3A_817 : f32 to vector<56x128xf32>
    %gt3A_819 = arith.cmpf ogt, %sub3A_816, %gt3A_818 : vector<56x128xf32>
    %jit3A_820 = arith.constant 1.000000e+00 : f32
    %broadcast_in_dim3A_821 = vector.broadcast %jit3A_820 : f32 to vector<56x128xf32>
    %select_n3A_822 = arith.select %gt3A_819, %sub3A_816, %broadcast_in_dim3A_821 : vector<56x128xi1>, vector<56x128xf32>
    %log3A_823 = math.log %select_n3A_822 : vector<56x128xf32>
    %mul3A_824 = arith.mulf %div3A_804, %log3A_823 : vector<56x128xf32>
    %exp3A_825 = math.exp %mul3A_824 : vector<56x128xf32>
    %jit3A_826 = arith.constant 0.000000e+00 : f32
    %broadcast_in_dim3A_827 = vector.broadcast %jit3A_826 : f32 to vector<56x128xf32>
    %select_n3A_828 = arith.select %gt3A_819, %exp3A_825, %broadcast_in_dim3A_827 : vector<56x128xi1>, vector<56x128xf32>
    %reduce_sum3A_829 = arith.constant dense<0.000000e+00> : vector<128xf32>
    %reduce_sum3A_830 = vector.multi_reduction <add>, %select_n3A_828, %reduce_sum3A_829 [0] : vector<56x128xf32> to vector<128xf32>
    %broadcast_in_dim3A_831 = vector.shape_cast %reduce_sum3A_830 : vector<128xf32> to vector<1x128xf32>
    %sub3A_832 = arith.constant 1.000000e+00 : f32
    %sub3A_833 = vector.broadcast %sub3A_832 : f32 to vector<1x128xf32>
    %sub3A_834 = arith.subf %broadcast_in_dim3A_831, %sub3A_833 : vector<1x128xf32>
    %gt3A_835 = arith.constant 0.000000e+00 : f32
    %gt3A_836 = vector.broadcast %gt3A_835 : f32 to vector<1x128xf32>
    %gt3A_837 = arith.cmpf ogt, %sub3A_834, %gt3A_836 : vector<1x128xf32>
    %select_n3A_838 = arith.select %gt3A_837, %mul3A_814, %sub3A_810 : vector<1x128xi1>, vector<1x128xf32>
    %select_n3A_839 = arith.select %gt3A_837, %broadcast_in_dim3A_807, %mul3A_814 : vector<1x128xi1>, vector<1x128xf32>
    %add3A_840 = arith.addf %select_n3A_838, %select_n3A_839 : vector<1x128xf32>
    %mul3A_841 = arith.constant 5.000000e-01 : f32
    %mul3A_842 = vector.broadcast %mul3A_841 : f32 to vector<1x128xf32>
    %mul3A_843 = arith.mulf %mul3A_842, %add3A_840 : vector<1x128xf32>
    %sub3A_844 = vector.broadcast %mul3A_843 : vector<1x128xf32> to vector<56x128xf32>
    %sub3A_845 = arith.subf %mul3A_801, %sub3A_844 : vector<56x128xf32>
    %gt3A_846 = arith.constant 0.000000e+00 : f32
    %gt3A_847 = vector.broadcast %gt3A_846 : f32 to vector<56x128xf32>
    %gt3A_848 = arith.cmpf ogt, %sub3A_845, %gt3A_847 : vector<56x128xf32>
    %jit3A_849 = arith.constant 1.000000e+00 : f32
    %broadcast_in_dim3A_850 = vector.broadcast %jit3A_849 : f32 to vector<56x128xf32>
    %select_n3A_851 = arith.select %gt3A_848, %sub3A_845, %broadcast_in_dim3A_850 : vector<56x128xi1>, vector<56x128xf32>
    %log3A_852 = math.log %select_n3A_851 : vector<56x128xf32>
    %mul3A_853 = arith.mulf %div3A_804, %log3A_852 : vector<56x128xf32>
    %exp3A_854 = math.exp %mul3A_853 : vector<56x128xf32>
    %jit3A_855 = arith.constant 0.000000e+00 : f32
    %broadcast_in_dim3A_856 = vector.broadcast %jit3A_855 : f32 to vector<56x128xf32>
    %select_n3A_857 = arith.select %gt3A_848, %exp3A_854, %broadcast_in_dim3A_856 : vector<56x128xi1>, vector<56x128xf32>
    %reduce_sum3A_858 = arith.constant dense<0.000000e+00> : vector<128xf32>
    %reduce_sum3A_859 = vector.multi_reduction <add>, %select_n3A_857, %reduce_sum3A_858 [0] : vector<56x128xf32> to vector<128xf32>
    %broadcast_in_dim3A_860 = vector.shape_cast %reduce_sum3A_859 : vector<128xf32> to vector<1x128xf32>
    %sub3A_861 = arith.constant 1.000000e+00 : f32
    %sub3A_862 = vector.broadcast %sub3A_861 : f32 to vector<1x128xf32>
    %sub3A_863 = arith.subf %broadcast_in_dim3A_860, %sub3A_862 : vector<1x128xf32>
    %gt3A_864 = arith.constant 0.000000e+00 : f32
    %gt3A_865 = vector.broadcast %gt3A_864 : f32 to vector<1x128xf32>
    %gt3A_866 = arith.cmpf ogt, %sub3A_863, %gt3A_865 : vector<1x128xf32>
    %select_n3A_867 = arith.select %gt3A_866, %mul3A_843, %select_n3A_838 : vector<1x128xi1>, vector<1x128xf32>
    %select_n3A_868 = arith.select %gt3A_866, %select_n3A_839, %mul3A_843 : vector<1x128xi1>, vector<1x128xf32>
    %add3A_869 = arith.addf %select_n3A_867, %select_n3A_868 : vector<1x128xf32>
    %mul3A_870 = arith.constant 5.000000e-01 : f32
    %mul3A_871 = vector.broadcast %mul3A_870 : f32 to vector<1x128xf32>
    %mul3A_872 = arith.mulf %mul3A_871, %add3A_869 : vector<1x128xf32>
    %sub3A_873 = vector.broadcast %mul3A_872 : vector<1x128xf32> to vector<56x128xf32>
    %sub3A_874 = arith.subf %mul3A_801, %sub3A_873 : vector<56x128xf32>
    %gt3A_875 = arith.constant 0.000000e+00 : f32
    %gt3A_876 = vector.broadcast %gt3A_875 : f32 to vector<56x128xf32>
    %gt3A_877 = arith.cmpf ogt, %sub3A_874, %gt3A_876 : vector<56x128xf32>
    %jit3A_878 = arith.constant 1.000000e+00 : f32
    %broadcast_in_dim3A_879 = vector.broadcast %jit3A_878 : f32 to vector<56x128xf32>
    %select_n3A_880 = arith.select %gt3A_877, %sub3A_874, %broadcast_in_dim3A_879 : vector<56x128xi1>, vector<56x128xf32>
    %log3A_881 = math.log %select_n3A_880 : vector<56x128xf32>
    %mul3A_882 = arith.mulf %div3A_804, %log3A_881 : vector<56x128xf32>
    %exp3A_883 = math.exp %mul3A_882 : vector<56x128xf32>
    %jit3A_884 = arith.constant 0.000000e+00 : f32
    %broadcast_in_dim3A_885 = vector.broadcast %jit3A_884 : f32 to vector<56x128xf32>
    %select_n3A_886 = arith.select %gt3A_877, %exp3A_883, %broadcast_in_dim3A_885 : vector<56x128xi1>, vector<56x128xf32>
    %reduce_sum3A_887 = arith.constant dense<0.000000e+00> : vector<128xf32>
    %reduce_sum3A_888 = vector.multi_reduction <add>, %select_n3A_886, %reduce_sum3A_887 [0] : vector<56x128xf32> to vector<128xf32>
    %broadcast_in_dim3A_889 = vector.shape_cast %reduce_sum3A_888 : vector<128xf32> to vector<1x128xf32>
    %sub3A_890 = arith.constant 1.000000e+00 : f32
    %sub3A_891 = vector.broadcast %sub3A_890 : f32 to vector<1x128xf32>
    %sub3A_892 = arith.subf %broadcast_in_dim3A_889, %sub3A_891 : vector<1x128xf32>
    %gt3A_893 = arith.constant 0.000000e+00 : f32
    %gt3A_894 = vector.broadcast %gt3A_893 : f32 to vector<1x128xf32>
    %gt3A_895 = arith.cmpf ogt, %sub3A_892, %gt3A_894 : vector<1x128xf32>
    %select_n3A_896 = arith.select %gt3A_895, %mul3A_872, %select_n3A_867 : vector<1x128xi1>, vector<1x128xf32>
    %select_n3A_897 = arith.select %gt3A_895, %select_n3A_868, %mul3A_872 : vector<1x128xi1>, vector<1x128xf32>
    %add3A_898 = arith.addf %select_n3A_896, %select_n3A_897 : vector<1x128xf32>
    %mul3A_899 = arith.constant 5.000000e-01 : f32
    %mul3A_900 = vector.broadcast %mul3A_899 : f32 to vector<1x128xf32>
    %mul3A_901 = arith.mulf %mul3A_900, %add3A_898 : vector<1x128xf32>
    %sub3A_902 = vector.broadcast %mul3A_901 : vector<1x128xf32> to vector<56x128xf32>
    %sub3A_903 = arith.subf %mul3A_801, %sub3A_902 : vector<56x128xf32>
    %gt3A_904 = arith.constant 0.000000e+00 : f32
    %gt3A_905 = vector.broadcast %gt3A_904 : f32 to vector<56x128xf32>
    %gt3A_906 = arith.cmpf ogt, %sub3A_903, %gt3A_905 : vector<56x128xf32>
    %jit3A_907 = arith.constant 1.000000e+00 : f32
    %broadcast_in_dim3A_908 = vector.broadcast %jit3A_907 : f32 to vector<56x128xf32>
    %select_n3A_909 = arith.select %gt3A_906, %sub3A_903, %broadcast_in_dim3A_908 : vector<56x128xi1>, vector<56x128xf32>
    %log3A_910 = math.log %select_n3A_909 : vector<56x128xf32>
    %mul3A_911 = arith.mulf %div3A_804, %log3A_910 : vector<56x128xf32>
    %exp3A_912 = math.exp %mul3A_911 : vector<56x128xf32>
    %jit3A_913 = arith.constant 0.000000e+00 : f32
    %broadcast_in_dim3A_914 = vector.broadcast %jit3A_913 : f32 to vector<56x128xf32>
    %select_n3A_915 = arith.select %gt3A_906, %exp3A_912, %broadcast_in_dim3A_914 : vector<56x128xi1>, vector<56x128xf32>
    %reduce_sum3A_916 = arith.constant dense<0.000000e+00> : vector<128xf32>
    %reduce_sum3A_917 = vector.multi_reduction <add>, %select_n3A_915, %reduce_sum3A_916 [0] : vector<56x128xf32> to vector<128xf32>
    %broadcast_in_dim3A_918 = vector.shape_cast %reduce_sum3A_917 : vector<128xf32> to vector<1x128xf32>
    %sub3A_919 = arith.constant 1.000000e+00 : f32
    %sub3A_920 = vector.broadcast %sub3A_919 : f32 to vector<1x128xf32>
    %sub3A_921 = arith.subf %broadcast_in_dim3A_918, %sub3A_920 : vector<1x128xf32>
    %gt3A_922 = arith.constant 0.000000e+00 : f32
    %gt3A_923 = vector.broadcast %gt3A_922 : f32 to vector<1x128xf32>
    %gt3A_924 = arith.cmpf ogt, %sub3A_921, %gt3A_923 : vector<1x128xf32>
    %select_n3A_925 = arith.select %gt3A_924, %mul3A_901, %select_n3A_896 : vector<1x128xi1>, vector<1x128xf32>
    %select_n3A_926 = arith.select %gt3A_924, %select_n3A_897, %mul3A_901 : vector<1x128xi1>, vector<1x128xf32>
    %add3A_927 = arith.addf %select_n3A_925, %select_n3A_926 : vector<1x128xf32>
    %mul3A_928 = arith.constant 5.000000e-01 : f32
    %mul3A_929 = vector.broadcast %mul3A_928 : f32 to vector<1x128xf32>
    %mul3A_930 = arith.mulf %mul3A_929, %add3A_927 : vector<1x128xf32>
    %sub3A_931 = vector.broadcast %mul3A_930 : vector<1x128xf32> to vector<56x128xf32>
    %sub3A_932 = arith.subf %mul3A_801, %sub3A_931 : vector<56x128xf32>
    %gt3A_933 = arith.constant 0.000000e+00 : f32
    %gt3A_934 = vector.broadcast %gt3A_933 : f32 to vector<56x128xf32>
    %gt3A_935 = arith.cmpf ogt, %sub3A_932, %gt3A_934 : vector<56x128xf32>
    %jit3A_936 = arith.constant 1.000000e+00 : f32
    %broadcast_in_dim3A_937 = vector.broadcast %jit3A_936 : f32 to vector<56x128xf32>
    %select_n3A_938 = arith.select %gt3A_935, %sub3A_932, %broadcast_in_dim3A_937 : vector<56x128xi1>, vector<56x128xf32>
    %log3A_939 = math.log %select_n3A_938 : vector<56x128xf32>
    %mul3A_940 = arith.mulf %div3A_804, %log3A_939 : vector<56x128xf32>
    %exp3A_941 = math.exp %mul3A_940 : vector<56x128xf32>
    %jit3A_942 = arith.constant 0.000000e+00 : f32
    %broadcast_in_dim3A_943 = vector.broadcast %jit3A_942 : f32 to vector<56x128xf32>
    %select_n3A_944 = arith.select %gt3A_935, %exp3A_941, %broadcast_in_dim3A_943 : vector<56x128xi1>, vector<56x128xf32>
    %reduce_sum3A_945 = arith.constant dense<0.000000e+00> : vector<128xf32>
    %reduce_sum3A_946 = vector.multi_reduction <add>, %select_n3A_944, %reduce_sum3A_945 [0] : vector<56x128xf32> to vector<128xf32>
    %broadcast_in_dim3A_947 = vector.shape_cast %reduce_sum3A_946 : vector<128xf32> to vector<1x128xf32>
    %sub3A_948 = arith.constant 1.000000e+00 : f32
    %sub3A_949 = vector.broadcast %sub3A_948 : f32 to vector<1x128xf32>
    %sub3A_950 = arith.subf %broadcast_in_dim3A_947, %sub3A_949 : vector<1x128xf32>
    %gt3A_951 = arith.constant 0.000000e+00 : f32
    %gt3A_952 = vector.broadcast %gt3A_951 : f32 to vector<1x128xf32>
    %gt3A_953 = arith.cmpf ogt, %sub3A_950, %gt3A_952 : vector<1x128xf32>
    %select_n3A_954 = arith.select %gt3A_953, %mul3A_930, %select_n3A_925 : vector<1x128xi1>, vector<1x128xf32>
    %select_n3A_955 = arith.select %gt3A_953, %select_n3A_926, %mul3A_930 : vector<1x128xi1>, vector<1x128xf32>
    %add3A_956 = arith.addf %select_n3A_954, %select_n3A_955 : vector<1x128xf32>
    %mul3A_957 = arith.constant 5.000000e-01 : f32
    %mul3A_958 = vector.broadcast %mul3A_957 : f32 to vector<1x128xf32>
    %mul3A_959 = arith.mulf %mul3A_958, %add3A_956 : vector<1x128xf32>
    %sub3A_960 = vector.broadcast %mul3A_959 : vector<1x128xf32> to vector<56x128xf32>
    %sub3A_961 = arith.subf %mul3A_801, %sub3A_960 : vector<56x128xf32>
    %gt3A_962 = arith.constant 0.000000e+00 : f32
    %gt3A_963 = vector.broadcast %gt3A_962 : f32 to vector<56x128xf32>
    %gt3A_964 = arith.cmpf ogt, %sub3A_961, %gt3A_963 : vector<56x128xf32>
    %jit3A_965 = arith.constant 1.000000e+00 : f32
    %broadcast_in_dim3A_966 = vector.broadcast %jit3A_965 : f32 to vector<56x128xf32>
    %select_n3A_967 = arith.select %gt3A_964, %sub3A_961, %broadcast_in_dim3A_966 : vector<56x128xi1>, vector<56x128xf32>
    %log3A_968 = math.log %select_n3A_967 : vector<56x128xf32>
    %mul3A_969 = arith.mulf %div3A_804, %log3A_968 : vector<56x128xf32>
    %exp3A_970 = math.exp %mul3A_969 : vector<56x128xf32>
    %jit3A_971 = arith.constant 0.000000e+00 : f32
    %broadcast_in_dim3A_972 = vector.broadcast %jit3A_971 : f32 to vector<56x128xf32>
    %select_n3A_973 = arith.select %gt3A_964, %exp3A_970, %broadcast_in_dim3A_972 : vector<56x128xi1>, vector<56x128xf32>
    %reduce_sum3A_974 = arith.constant dense<0.000000e+00> : vector<128xf32>
    %reduce_sum3A_975 = vector.multi_reduction <add>, %select_n3A_973, %reduce_sum3A_974 [0] : vector<56x128xf32> to vector<128xf32>
    %broadcast_in_dim3A_976 = vector.shape_cast %reduce_sum3A_975 : vector<128xf32> to vector<1x128xf32>
    %sub3A_977 = arith.constant 1.000000e+00 : f32
    %sub3A_978 = vector.broadcast %sub3A_977 : f32 to vector<1x128xf32>
    %sub3A_979 = arith.subf %broadcast_in_dim3A_976, %sub3A_978 : vector<1x128xf32>
    %gt3A_980 = arith.constant 0.000000e+00 : f32
    %gt3A_981 = vector.broadcast %gt3A_980 : f32 to vector<1x128xf32>
    %gt3A_982 = arith.cmpf ogt, %sub3A_979, %gt3A_981 : vector<1x128xf32>
    %select_n3A_983 = arith.select %gt3A_982, %mul3A_959, %select_n3A_954 : vector<1x128xi1>, vector<1x128xf32>
    %select_n3A_984 = arith.select %gt3A_982, %select_n3A_955, %mul3A_959 : vector<1x128xi1>, vector<1x128xf32>
    %add3A_985 = arith.addf %select_n3A_983, %select_n3A_984 : vector<1x128xf32>
    %mul3A_986 = arith.constant 5.000000e-01 : f32
    %mul3A_987 = vector.broadcast %mul3A_986 : f32 to vector<1x128xf32>
    %mul3A_988 = arith.mulf %mul3A_987, %add3A_985 : vector<1x128xf32>
    %sub3A_989 = vector.broadcast %mul3A_988 : vector<1x128xf32> to vector<56x128xf32>
    %sub3A_990 = arith.subf %mul3A_801, %sub3A_989 : vector<56x128xf32>
    %gt3A_991 = arith.constant 0.000000e+00 : f32
    %gt3A_992 = vector.broadcast %gt3A_991 : f32 to vector<56x128xf32>
    %gt3A_993 = arith.cmpf ogt, %sub3A_990, %gt3A_992 : vector<56x128xf32>
    %jit3A_994 = arith.constant 1.000000e+00 : f32
    %broadcast_in_dim3A_995 = vector.broadcast %jit3A_994 : f32 to vector<56x128xf32>
    %select_n3A_996 = arith.select %gt3A_993, %sub3A_990, %broadcast_in_dim3A_995 : vector<56x128xi1>, vector<56x128xf32>
    %log3A_997 = math.log %select_n3A_996 : vector<56x128xf32>
    %mul3A_998 = arith.mulf %div3A_804, %log3A_997 : vector<56x128xf32>
    %exp3A_999 = math.exp %mul3A_998 : vector<56x128xf32>
    %jit3A_1000 = arith.constant 0.000000e+00 : f32
    %broadcast_in_dim3A_1001 = vector.broadcast %jit3A_1000 : f32 to vector<56x128xf32>
    %select_n3A_1002 = arith.select %gt3A_993, %exp3A_999, %broadcast_in_dim3A_1001 : vector<56x128xi1>, vector<56x128xf32>
    %reduce_sum3A_1003 = arith.constant dense<0.000000e+00> : vector<128xf32>
    %reduce_sum3A_1004 = vector.multi_reduction <add>, %select_n3A_1002, %reduce_sum3A_1003 [0] : vector<56x128xf32> to vector<128xf32>
    %broadcast_in_dim3A_1005 = vector.shape_cast %reduce_sum3A_1004 : vector<128xf32> to vector<1x128xf32>
    %sub3A_1006 = arith.constant 1.000000e+00 : f32
    %sub3A_1007 = vector.broadcast %sub3A_1006 : f32 to vector<1x128xf32>
    %sub3A_1008 = arith.subf %broadcast_in_dim3A_1005, %sub3A_1007 : vector<1x128xf32>
    %gt3A_1009 = arith.constant 0.000000e+00 : f32
    %gt3A_1010 = vector.broadcast %gt3A_1009 : f32 to vector<1x128xf32>
    %gt3A_1011 = arith.cmpf ogt, %sub3A_1008, %gt3A_1010 : vector<1x128xf32>
    %select_n3A_1012 = arith.select %gt3A_1011, %mul3A_988, %select_n3A_983 : vector<1x128xi1>, vector<1x128xf32>
    %select_n3A_1013 = arith.select %gt3A_1011, %select_n3A_984, %mul3A_988 : vector<1x128xi1>, vector<1x128xf32>
    %add3A_1014 = arith.addf %select_n3A_1012, %select_n3A_1013 : vector<1x128xf32>
    %mul3A_1015 = arith.constant 5.000000e-01 : f32
    %mul3A_1016 = vector.broadcast %mul3A_1015 : f32 to vector<1x128xf32>
    %mul3A_1017 = arith.mulf %mul3A_1016, %add3A_1014 : vector<1x128xf32>
    %sub3A_1018 = vector.broadcast %mul3A_1017 : vector<1x128xf32> to vector<56x128xf32>
    %sub3A_1019 = arith.subf %mul3A_801, %sub3A_1018 : vector<56x128xf32>
    %gt3A_1020 = arith.constant 0.000000e+00 : f32
    %gt3A_1021 = vector.broadcast %gt3A_1020 : f32 to vector<56x128xf32>
    %gt3A_1022 = arith.cmpf ogt, %sub3A_1019, %gt3A_1021 : vector<56x128xf32>
    %jit3A_1023 = arith.constant 1.000000e+00 : f32
    %broadcast_in_dim3A_1024 = vector.broadcast %jit3A_1023 : f32 to vector<56x128xf32>
    %select_n3A_1025 = arith.select %gt3A_1022, %sub3A_1019, %broadcast_in_dim3A_1024 : vector<56x128xi1>, vector<56x128xf32>
    %log3A_1026 = math.log %select_n3A_1025 : vector<56x128xf32>
    %mul3A_1027 = arith.mulf %div3A_804, %log3A_1026 : vector<56x128xf32>
    %exp3A_1028 = math.exp %mul3A_1027 : vector<56x128xf32>
    %jit3A_1029 = arith.constant 0.000000e+00 : f32
    %broadcast_in_dim3A_1030 = vector.broadcast %jit3A_1029 : f32 to vector<56x128xf32>
    %select_n3A_1031 = arith.select %gt3A_1022, %exp3A_1028, %broadcast_in_dim3A_1030 : vector<56x128xi1>, vector<56x128xf32>
    %reduce_sum3A_1032 = arith.constant dense<0.000000e+00> : vector<128xf32>
    %reduce_sum3A_1033 = vector.multi_reduction <add>, %select_n3A_1031, %reduce_sum3A_1032 [0] : vector<56x128xf32> to vector<128xf32>
    %broadcast_in_dim3A_1034 = vector.shape_cast %reduce_sum3A_1033 : vector<128xf32> to vector<1x128xf32>
    %sub3A_1035 = arith.constant 1.000000e+00 : f32
    %sub3A_1036 = vector.broadcast %sub3A_1035 : f32 to vector<1x128xf32>
    %sub3A_1037 = arith.subf %broadcast_in_dim3A_1034, %sub3A_1036 : vector<1x128xf32>
    %gt3A_1038 = arith.constant 0.000000e+00 : f32
    %gt3A_1039 = vector.broadcast %gt3A_1038 : f32 to vector<1x128xf32>
    %gt3A_1040 = arith.cmpf ogt, %sub3A_1037, %gt3A_1039 : vector<1x128xf32>
    %select_n3A_1041 = arith.select %gt3A_1040, %mul3A_1017, %select_n3A_1012 : vector<1x128xi1>, vector<1x128xf32>
    %select_n3A_1042 = arith.select %gt3A_1040, %select_n3A_1013, %mul3A_1017 : vector<1x128xi1>, vector<1x128xf32>
    %add3A_1043 = arith.addf %select_n3A_1041, %select_n3A_1042 : vector<1x128xf32>
    %mul3A_1044 = arith.constant 5.000000e-01 : f32
    %mul3A_1045 = vector.broadcast %mul3A_1044 : f32 to vector<1x128xf32>
    %mul3A_1046 = arith.mulf %mul3A_1045, %add3A_1043 : vector<1x128xf32>
    %sub3A_1047 = vector.broadcast %mul3A_1046 : vector<1x128xf32> to vector<56x128xf32>
    %sub3A_1048 = arith.subf %mul3A_801, %sub3A_1047 : vector<56x128xf32>
    %gt3A_1049 = arith.constant 0.000000e+00 : f32
    %gt3A_1050 = vector.broadcast %gt3A_1049 : f32 to vector<56x128xf32>
    %gt3A_1051 = arith.cmpf ogt, %sub3A_1048, %gt3A_1050 : vector<56x128xf32>
    %jit3A_1052 = arith.constant 1.000000e+00 : f32
    %broadcast_in_dim3A_1053 = vector.broadcast %jit3A_1052 : f32 to vector<56x128xf32>
    %select_n3A_1054 = arith.select %gt3A_1051, %sub3A_1048, %broadcast_in_dim3A_1053 : vector<56x128xi1>, vector<56x128xf32>
    %log3A_1055 = math.log %select_n3A_1054 : vector<56x128xf32>
    %mul3A_1056 = arith.mulf %div3A_804, %log3A_1055 : vector<56x128xf32>
    %exp3A_1057 = math.exp %mul3A_1056 : vector<56x128xf32>
    %jit3A_1058 = arith.constant 0.000000e+00 : f32
    %broadcast_in_dim3A_1059 = vector.broadcast %jit3A_1058 : f32 to vector<56x128xf32>
    %select_n3A_1060 = arith.select %gt3A_1051, %exp3A_1057, %broadcast_in_dim3A_1059 : vector<56x128xi1>, vector<56x128xf32>
    %reduce_sum3A_1061 = arith.constant dense<0.000000e+00> : vector<128xf32>
    %reduce_sum3A_1062 = vector.multi_reduction <add>, %select_n3A_1060, %reduce_sum3A_1061 [0] : vector<56x128xf32> to vector<128xf32>
    %broadcast_in_dim3A_1063 = vector.shape_cast %reduce_sum3A_1062 : vector<128xf32> to vector<1x128xf32>
    %sub3A_1064 = arith.constant 1.000000e+00 : f32
    %sub3A_1065 = vector.broadcast %sub3A_1064 : f32 to vector<1x128xf32>
    %sub3A_1066 = arith.subf %broadcast_in_dim3A_1063, %sub3A_1065 : vector<1x128xf32>
    %gt3A_1067 = arith.constant 0.000000e+00 : f32
    %gt3A_1068 = vector.broadcast %gt3A_1067 : f32 to vector<1x128xf32>
    %gt3A_1069 = arith.cmpf ogt, %sub3A_1066, %gt3A_1068 : vector<1x128xf32>
    %select_n3A_1070 = arith.select %gt3A_1069, %mul3A_1046, %select_n3A_1041 : vector<1x128xi1>, vector<1x128xf32>
    %select_n3A_1071 = arith.select %gt3A_1069, %select_n3A_1042, %mul3A_1046 : vector<1x128xi1>, vector<1x128xf32>
    %add3A_1072 = arith.addf %select_n3A_1070, %select_n3A_1071 : vector<1x128xf32>
    %mul3A_1073 = arith.constant 5.000000e-01 : f32
    %mul3A_1074 = vector.broadcast %mul3A_1073 : f32 to vector<1x128xf32>
    %mul3A_1075 = arith.mulf %mul3A_1074, %add3A_1072 : vector<1x128xf32>
    %sub3A_1076 = vector.broadcast %mul3A_1075 : vector<1x128xf32> to vector<56x128xf32>
    %sub3A_1077 = arith.subf %mul3A_801, %sub3A_1076 : vector<56x128xf32>
    %gt3A_1078 = arith.constant 0.000000e+00 : f32
    %gt3A_1079 = vector.broadcast %gt3A_1078 : f32 to vector<56x128xf32>
    %gt3A_1080 = arith.cmpf ogt, %sub3A_1077, %gt3A_1079 : vector<56x128xf32>
    %jit3A_1081 = arith.constant 1.000000e+00 : f32
    %broadcast_in_dim3A_1082 = vector.broadcast %jit3A_1081 : f32 to vector<56x128xf32>
    %select_n3A_1083 = arith.select %gt3A_1080, %sub3A_1077, %broadcast_in_dim3A_1082 : vector<56x128xi1>, vector<56x128xf32>
    %log3A_1084 = math.log %select_n3A_1083 : vector<56x128xf32>
    %mul3A_1085 = arith.mulf %div3A_804, %log3A_1084 : vector<56x128xf32>
    %exp3A_1086 = math.exp %mul3A_1085 : vector<56x128xf32>
    %jit3A_1087 = arith.constant 0.000000e+00 : f32
    %broadcast_in_dim3A_1088 = vector.broadcast %jit3A_1087 : f32 to vector<56x128xf32>
    %select_n3A_1089 = arith.select %gt3A_1080, %exp3A_1086, %broadcast_in_dim3A_1088 : vector<56x128xi1>, vector<56x128xf32>
    %reduce_sum3A_1090 = arith.constant dense<0.000000e+00> : vector<128xf32>
    %reduce_sum3A_1091 = vector.multi_reduction <add>, %select_n3A_1089, %reduce_sum3A_1090 [0] : vector<56x128xf32> to vector<128xf32>
    %broadcast_in_dim3A_1092 = vector.shape_cast %reduce_sum3A_1091 : vector<128xf32> to vector<1x128xf32>
    %sub3A_1093 = arith.constant 1.000000e+00 : f32
    %sub3A_1094 = vector.broadcast %sub3A_1093 : f32 to vector<1x128xf32>
    %sub3A_1095 = arith.subf %broadcast_in_dim3A_1092, %sub3A_1094 : vector<1x128xf32>
    %gt3A_1096 = arith.constant 0.000000e+00 : f32
    %gt3A_1097 = vector.broadcast %gt3A_1096 : f32 to vector<1x128xf32>
    %gt3A_1098 = arith.cmpf ogt, %sub3A_1095, %gt3A_1097 : vector<1x128xf32>
    %select_n3A_1099 = arith.select %gt3A_1098, %mul3A_1075, %select_n3A_1070 : vector<1x128xi1>, vector<1x128xf32>
    %select_n3A_1100 = arith.select %gt3A_1098, %select_n3A_1071, %mul3A_1075 : vector<1x128xi1>, vector<1x128xf32>
    %add3A_1101 = arith.addf %select_n3A_1099, %select_n3A_1100 : vector<1x128xf32>
    %mul3A_1102 = arith.constant 5.000000e-01 : f32
    %mul3A_1103 = vector.broadcast %mul3A_1102 : f32 to vector<1x128xf32>
    %mul3A_1104 = arith.mulf %mul3A_1103, %add3A_1101 : vector<1x128xf32>
    %sub3A_1105 = vector.broadcast %mul3A_1104 : vector<1x128xf32> to vector<56x128xf32>
    %sub3A_1106 = arith.subf %mul3A_801, %sub3A_1105 : vector<56x128xf32>
    %gt3A_1107 = arith.constant 0.000000e+00 : f32
    %gt3A_1108 = vector.broadcast %gt3A_1107 : f32 to vector<56x128xf32>
    %gt3A_1109 = arith.cmpf ogt, %sub3A_1106, %gt3A_1108 : vector<56x128xf32>
    %jit3A_1110 = arith.constant 1.000000e+00 : f32
    %broadcast_in_dim3A_1111 = vector.broadcast %jit3A_1110 : f32 to vector<56x128xf32>
    %select_n3A_1112 = arith.select %gt3A_1109, %sub3A_1106, %broadcast_in_dim3A_1111 : vector<56x128xi1>, vector<56x128xf32>
    %log3A_1113 = math.log %select_n3A_1112 : vector<56x128xf32>
    %mul3A_1114 = arith.mulf %div3A_804, %log3A_1113 : vector<56x128xf32>
    %exp3A_1115 = math.exp %mul3A_1114 : vector<56x128xf32>
    %jit3A_1116 = arith.constant 0.000000e+00 : f32
    %broadcast_in_dim3A_1117 = vector.broadcast %jit3A_1116 : f32 to vector<56x128xf32>
    %select_n3A_1118 = arith.select %gt3A_1109, %exp3A_1115, %broadcast_in_dim3A_1117 : vector<56x128xi1>, vector<56x128xf32>
    %reduce_sum3A_1119 = arith.constant dense<0.000000e+00> : vector<128xf32>
    %reduce_sum3A_1120 = vector.multi_reduction <add>, %select_n3A_1118, %reduce_sum3A_1119 [0] : vector<56x128xf32> to vector<128xf32>
    %broadcast_in_dim3A_1121 = vector.shape_cast %reduce_sum3A_1120 : vector<128xf32> to vector<1x128xf32>
    %sub3A_1122 = arith.constant 1.000000e+00 : f32
    %sub3A_1123 = vector.broadcast %sub3A_1122 : f32 to vector<1x128xf32>
    %sub3A_1124 = arith.subf %broadcast_in_dim3A_1121, %sub3A_1123 : vector<1x128xf32>
    %gt3A_1125 = arith.constant 0.000000e+00 : f32
    %gt3A_1126 = vector.broadcast %gt3A_1125 : f32 to vector<1x128xf32>
    %gt3A_1127 = arith.cmpf ogt, %sub3A_1124, %gt3A_1126 : vector<1x128xf32>
    %select_n3A_1128 = arith.select %gt3A_1127, %mul3A_1104, %select_n3A_1099 : vector<1x128xi1>, vector<1x128xf32>
    %select_n3A_1129 = arith.select %gt3A_1127, %select_n3A_1100, %mul3A_1104 : vector<1x128xi1>, vector<1x128xf32>
    %add3A_1130 = arith.addf %select_n3A_1128, %select_n3A_1129 : vector<1x128xf32>
    %mul3A_1131 = arith.constant 5.000000e-01 : f32
    %mul3A_1132 = vector.broadcast %mul3A_1131 : f32 to vector<1x128xf32>
    %mul3A_1133 = arith.mulf %mul3A_1132, %add3A_1130 : vector<1x128xf32>
    %sub3A_1134 = vector.broadcast %mul3A_1133 : vector<1x128xf32> to vector<56x128xf32>
    %sub3A_1135 = arith.subf %mul3A_801, %sub3A_1134 : vector<56x128xf32>
    %gt3A_1136 = arith.constant 0.000000e+00 : f32
    %gt3A_1137 = vector.broadcast %gt3A_1136 : f32 to vector<56x128xf32>
    %gt3A_1138 = arith.cmpf ogt, %sub3A_1135, %gt3A_1137 : vector<56x128xf32>
    %jit3A_1139 = arith.constant 1.000000e+00 : f32
    %broadcast_in_dim3A_1140 = vector.broadcast %jit3A_1139 : f32 to vector<56x128xf32>
    %select_n3A_1141 = arith.select %gt3A_1138, %sub3A_1135, %broadcast_in_dim3A_1140 : vector<56x128xi1>, vector<56x128xf32>
    %log3A_1142 = math.log %select_n3A_1141 : vector<56x128xf32>
    %mul3A_1143 = arith.mulf %div3A_804, %log3A_1142 : vector<56x128xf32>
    %exp3A_1144 = math.exp %mul3A_1143 : vector<56x128xf32>
    %jit3A_1145 = arith.constant 0.000000e+00 : f32
    %broadcast_in_dim3A_1146 = vector.broadcast %jit3A_1145 : f32 to vector<56x128xf32>
    %select_n3A_1147 = arith.select %gt3A_1138, %exp3A_1144, %broadcast_in_dim3A_1146 : vector<56x128xi1>, vector<56x128xf32>
    %reduce_sum3A_1148 = arith.constant dense<0.000000e+00> : vector<128xf32>
    %reduce_sum3A_1149 = vector.multi_reduction <add>, %select_n3A_1147, %reduce_sum3A_1148 [0] : vector<56x128xf32> to vector<128xf32>
    %broadcast_in_dim3A_1150 = vector.shape_cast %reduce_sum3A_1149 : vector<128xf32> to vector<1x128xf32>
    %sub3A_1151 = arith.constant 1.000000e+00 : f32
    %sub3A_1152 = vector.broadcast %sub3A_1151 : f32 to vector<1x128xf32>
    %sub3A_1153 = arith.subf %broadcast_in_dim3A_1150, %sub3A_1152 : vector<1x128xf32>
    %gt3A_1154 = arith.constant 0.000000e+00 : f32
    %gt3A_1155 = vector.broadcast %gt3A_1154 : f32 to vector<1x128xf32>
    %gt3A_1156 = arith.cmpf ogt, %sub3A_1153, %gt3A_1155 : vector<1x128xf32>
    %select_n3A_1157 = arith.select %gt3A_1156, %mul3A_1133, %select_n3A_1128 : vector<1x128xi1>, vector<1x128xf32>
    %select_n3A_1158 = arith.select %gt3A_1156, %select_n3A_1129, %mul3A_1133 : vector<1x128xi1>, vector<1x128xf32>
    %add3A_1159 = arith.addf %select_n3A_1157, %select_n3A_1158 : vector<1x128xf32>
    %mul3A_1160 = arith.constant 5.000000e-01 : f32
    %mul3A_1161 = vector.broadcast %mul3A_1160 : f32 to vector<1x128xf32>
    %mul3A_1162 = arith.mulf %mul3A_1161, %add3A_1159 : vector<1x128xf32>
    %sub3A_1163 = vector.broadcast %mul3A_1162 : vector<1x128xf32> to vector<56x128xf32>
    %sub3A_1164 = arith.subf %mul3A_801, %sub3A_1163 : vector<56x128xf32>
    %gt3A_1165 = arith.constant 0.000000e+00 : f32
    %gt3A_1166 = vector.broadcast %gt3A_1165 : f32 to vector<56x128xf32>
    %gt3A_1167 = arith.cmpf ogt, %sub3A_1164, %gt3A_1166 : vector<56x128xf32>
    %jit3A_1168 = arith.constant 1.000000e+00 : f32
    %broadcast_in_dim3A_1169 = vector.broadcast %jit3A_1168 : f32 to vector<56x128xf32>
    %select_n3A_1170 = arith.select %gt3A_1167, %sub3A_1164, %broadcast_in_dim3A_1169 : vector<56x128xi1>, vector<56x128xf32>
    %log3A_1171 = math.log %select_n3A_1170 : vector<56x128xf32>
    %mul3A_1172 = arith.mulf %div3A_804, %log3A_1171 : vector<56x128xf32>
    %exp3A_1173 = math.exp %mul3A_1172 : vector<56x128xf32>
    %jit3A_1174 = arith.constant 0.000000e+00 : f32
    %broadcast_in_dim3A_1175 = vector.broadcast %jit3A_1174 : f32 to vector<56x128xf32>
    %select_n3A_1176 = arith.select %gt3A_1167, %exp3A_1173, %broadcast_in_dim3A_1175 : vector<56x128xi1>, vector<56x128xf32>
    %reduce_sum3A_1177 = arith.constant dense<0.000000e+00> : vector<128xf32>
    %reduce_sum3A_1178 = vector.multi_reduction <add>, %select_n3A_1176, %reduce_sum3A_1177 [0] : vector<56x128xf32> to vector<128xf32>
    %broadcast_in_dim3A_1179 = vector.shape_cast %reduce_sum3A_1178 : vector<128xf32> to vector<1x128xf32>
    %sub3A_1180 = arith.constant 1.000000e+00 : f32
    %sub3A_1181 = vector.broadcast %sub3A_1180 : f32 to vector<1x128xf32>
    %sub3A_1182 = arith.subf %broadcast_in_dim3A_1179, %sub3A_1181 : vector<1x128xf32>
    %gt3A_1183 = arith.constant 0.000000e+00 : f32
    %gt3A_1184 = vector.broadcast %gt3A_1183 : f32 to vector<1x128xf32>
    %gt3A_1185 = arith.cmpf ogt, %sub3A_1182, %gt3A_1184 : vector<1x128xf32>
    %select_n3A_1186 = arith.select %gt3A_1185, %mul3A_1162, %select_n3A_1157 : vector<1x128xi1>, vector<1x128xf32>
    %select_n3A_1187 = arith.select %gt3A_1185, %select_n3A_1158, %mul3A_1162 : vector<1x128xi1>, vector<1x128xf32>
    %add3A_1188 = arith.addf %select_n3A_1186, %select_n3A_1187 : vector<1x128xf32>
    %mul3A_1189 = arith.constant 5.000000e-01 : f32
    %mul3A_1190 = vector.broadcast %mul3A_1189 : f32 to vector<1x128xf32>
    %mul3A_1191 = arith.mulf %mul3A_1190, %add3A_1188 : vector<1x128xf32>
    %sub3A_1192 = vector.broadcast %mul3A_1191 : vector<1x128xf32> to vector<56x128xf32>
    %sub3A_1193 = arith.subf %mul3A_801, %sub3A_1192 : vector<56x128xf32>
    %gt3A_1194 = arith.constant 0.000000e+00 : f32
    %gt3A_1195 = vector.broadcast %gt3A_1194 : f32 to vector<56x128xf32>
    %gt3A_1196 = arith.cmpf ogt, %sub3A_1193, %gt3A_1195 : vector<56x128xf32>
    %jit3A_1197 = arith.constant 1.000000e+00 : f32
    %broadcast_in_dim3A_1198 = vector.broadcast %jit3A_1197 : f32 to vector<56x128xf32>
    %select_n3A_1199 = arith.select %gt3A_1196, %sub3A_1193, %broadcast_in_dim3A_1198 : vector<56x128xi1>, vector<56x128xf32>
    %log3A_1200 = math.log %select_n3A_1199 : vector<56x128xf32>
    %mul3A_1201 = arith.mulf %div3A_804, %log3A_1200 : vector<56x128xf32>
    %exp3A_1202 = math.exp %mul3A_1201 : vector<56x128xf32>
    %jit3A_1203 = arith.constant 0.000000e+00 : f32
    %broadcast_in_dim3A_1204 = vector.broadcast %jit3A_1203 : f32 to vector<56x128xf32>
    %select_n3A_1205 = arith.select %gt3A_1196, %exp3A_1202, %broadcast_in_dim3A_1204 : vector<56x128xi1>, vector<56x128xf32>
    %reduce_sum3A_1206 = arith.constant dense<0.000000e+00> : vector<128xf32>
    %reduce_sum3A_1207 = vector.multi_reduction <add>, %select_n3A_1205, %reduce_sum3A_1206 [0] : vector<56x128xf32> to vector<128xf32>
    %broadcast_in_dim3A_1208 = vector.shape_cast %reduce_sum3A_1207 : vector<128xf32> to vector<1x128xf32>
    %sub3A_1209 = arith.constant 1.000000e+00 : f32
    %sub3A_1210 = vector.broadcast %sub3A_1209 : f32 to vector<1x128xf32>
    %sub3A_1211 = arith.subf %broadcast_in_dim3A_1208, %sub3A_1210 : vector<1x128xf32>
    %gt3A_1212 = arith.constant 0.000000e+00 : f32
    %gt3A_1213 = vector.broadcast %gt3A_1212 : f32 to vector<1x128xf32>
    %gt3A_1214 = arith.cmpf ogt, %sub3A_1211, %gt3A_1213 : vector<1x128xf32>
    %select_n3A_1215 = arith.select %gt3A_1214, %mul3A_1191, %select_n3A_1186 : vector<1x128xi1>, vector<1x128xf32>
    %select_n3A_1216 = arith.select %gt3A_1214, %select_n3A_1187, %mul3A_1191 : vector<1x128xi1>, vector<1x128xf32>
    %add3A_1217 = arith.addf %select_n3A_1215, %select_n3A_1216 : vector<1x128xf32>
    %mul3A_1218 = arith.constant 5.000000e-01 : f32
    %mul3A_1219 = vector.broadcast %mul3A_1218 : f32 to vector<1x128xf32>
    %mul3A_1220 = arith.mulf %mul3A_1219, %add3A_1217 : vector<1x128xf32>
    %sub3A_1221 = vector.broadcast %mul3A_1220 : vector<1x128xf32> to vector<56x128xf32>
    %sub3A_1222 = arith.subf %mul3A_801, %sub3A_1221 : vector<56x128xf32>
    %gt3A_1223 = arith.constant 0.000000e+00 : f32
    %gt3A_1224 = vector.broadcast %gt3A_1223 : f32 to vector<56x128xf32>
    %gt3A_1225 = arith.cmpf ogt, %sub3A_1222, %gt3A_1224 : vector<56x128xf32>
    %jit3A_1226 = arith.constant 1.000000e+00 : f32
    %broadcast_in_dim3A_1227 = vector.broadcast %jit3A_1226 : f32 to vector<56x128xf32>
    %select_n3A_1228 = arith.select %gt3A_1225, %sub3A_1222, %broadcast_in_dim3A_1227 : vector<56x128xi1>, vector<56x128xf32>
    %log3A_1229 = math.log %select_n3A_1228 : vector<56x128xf32>
    %mul3A_1230 = arith.mulf %div3A_804, %log3A_1229 : vector<56x128xf32>
    %exp3A_1231 = math.exp %mul3A_1230 : vector<56x128xf32>
    %jit3A_1232 = arith.constant 0.000000e+00 : f32
    %broadcast_in_dim3A_1233 = vector.broadcast %jit3A_1232 : f32 to vector<56x128xf32>
    %select_n3A_1234 = arith.select %gt3A_1225, %exp3A_1231, %broadcast_in_dim3A_1233 : vector<56x128xi1>, vector<56x128xf32>
    %reduce_sum3A_1235 = arith.constant dense<0.000000e+00> : vector<128xf32>
    %reduce_sum3A_1236 = vector.multi_reduction <add>, %select_n3A_1234, %reduce_sum3A_1235 [0] : vector<56x128xf32> to vector<128xf32>
    %broadcast_in_dim3A_1237 = vector.shape_cast %reduce_sum3A_1236 : vector<128xf32> to vector<1x128xf32>
    %sub3A_1238 = arith.constant 1.000000e+00 : f32
    %sub3A_1239 = vector.broadcast %sub3A_1238 : f32 to vector<1x128xf32>
    %sub3A_1240 = arith.subf %broadcast_in_dim3A_1237, %sub3A_1239 : vector<1x128xf32>
    %gt3A_1241 = arith.constant 0.000000e+00 : f32
    %gt3A_1242 = vector.broadcast %gt3A_1241 : f32 to vector<1x128xf32>
    %gt3A_1243 = arith.cmpf ogt, %sub3A_1240, %gt3A_1242 : vector<1x128xf32>
    %select_n3A_1244 = arith.select %gt3A_1243, %mul3A_1220, %select_n3A_1215 : vector<1x128xi1>, vector<1x128xf32>
    %select_n3A_1245 = arith.select %gt3A_1243, %select_n3A_1216, %mul3A_1220 : vector<1x128xi1>, vector<1x128xf32>
    %add3A_1246 = arith.addf %select_n3A_1244, %select_n3A_1245 : vector<1x128xf32>
    %mul3A_1247 = arith.constant 5.000000e-01 : f32
    %mul3A_1248 = vector.broadcast %mul3A_1247 : f32 to vector<1x128xf32>
    %mul3A_1249 = arith.mulf %mul3A_1248, %add3A_1246 : vector<1x128xf32>
    %sub3A_1250 = vector.broadcast %mul3A_1249 : vector<1x128xf32> to vector<56x128xf32>
    %sub3A_1251 = arith.subf %mul3A_801, %sub3A_1250 : vector<56x128xf32>
    %gt3A_1252 = arith.constant 0.000000e+00 : f32
    %gt3A_1253 = vector.broadcast %gt3A_1252 : f32 to vector<56x128xf32>
    %gt3A_1254 = arith.cmpf ogt, %sub3A_1251, %gt3A_1253 : vector<56x128xf32>
    %jit3A_1255 = arith.constant 1.000000e+00 : f32
    %broadcast_in_dim3A_1256 = vector.broadcast %jit3A_1255 : f32 to vector<56x128xf32>
    %select_n3A_1257 = arith.select %gt3A_1254, %sub3A_1251, %broadcast_in_dim3A_1256 : vector<56x128xi1>, vector<56x128xf32>
    %log3A_1258 = math.log %select_n3A_1257 : vector<56x128xf32>
    %mul3A_1259 = arith.mulf %div3A_804, %log3A_1258 : vector<56x128xf32>
    %exp3A_1260 = math.exp %mul3A_1259 : vector<56x128xf32>
    %jit3A_1261 = arith.constant 0.000000e+00 : f32
    %broadcast_in_dim3A_1262 = vector.broadcast %jit3A_1261 : f32 to vector<56x128xf32>
    %select_n3A_1263 = arith.select %gt3A_1254, %exp3A_1260, %broadcast_in_dim3A_1262 : vector<56x128xi1>, vector<56x128xf32>
    %reduce_sum3A_1264 = arith.constant dense<0.000000e+00> : vector<128xf32>
    %reduce_sum3A_1265 = vector.multi_reduction <add>, %select_n3A_1263, %reduce_sum3A_1264 [0] : vector<56x128xf32> to vector<128xf32>
    %broadcast_in_dim3A_1266 = vector.shape_cast %reduce_sum3A_1265 : vector<128xf32> to vector<1x128xf32>
    %sub3A_1267 = arith.constant 1.000000e+00 : f32
    %sub3A_1268 = vector.broadcast %sub3A_1267 : f32 to vector<1x128xf32>
    %sub3A_1269 = arith.subf %broadcast_in_dim3A_1266, %sub3A_1268 : vector<1x128xf32>
    %gt3A_1270 = arith.constant 0.000000e+00 : f32
    %gt3A_1271 = vector.broadcast %gt3A_1270 : f32 to vector<1x128xf32>
    %gt3A_1272 = arith.cmpf ogt, %sub3A_1269, %gt3A_1271 : vector<1x128xf32>
    %select_n3A_1273 = arith.select %gt3A_1272, %mul3A_1249, %select_n3A_1244 : vector<1x128xi1>, vector<1x128xf32>
    %select_n3A_1274 = arith.select %gt3A_1272, %select_n3A_1245, %mul3A_1249 : vector<1x128xi1>, vector<1x128xf32>
    %add3A_1275 = arith.addf %select_n3A_1273, %select_n3A_1274 : vector<1x128xf32>
    %mul3A_1276 = arith.constant 5.000000e-01 : f32
    %mul3A_1277 = vector.broadcast %mul3A_1276 : f32 to vector<1x128xf32>
    %mul3A_1278 = arith.mulf %mul3A_1277, %add3A_1275 : vector<1x128xf32>
    %sub3A_1279 = vector.broadcast %mul3A_1278 : vector<1x128xf32> to vector<56x128xf32>
    %sub3A_1280 = arith.subf %mul3A_801, %sub3A_1279 : vector<56x128xf32>
    %gt3A_1281 = arith.constant 0.000000e+00 : f32
    %gt3A_1282 = vector.broadcast %gt3A_1281 : f32 to vector<56x128xf32>
    %gt3A_1283 = arith.cmpf ogt, %sub3A_1280, %gt3A_1282 : vector<56x128xf32>
    %jit3A_1284 = arith.constant 1.000000e+00 : f32
    %broadcast_in_dim3A_1285 = vector.broadcast %jit3A_1284 : f32 to vector<56x128xf32>
    %select_n3A_1286 = arith.select %gt3A_1283, %sub3A_1280, %broadcast_in_dim3A_1285 : vector<56x128xi1>, vector<56x128xf32>
    %log3A_1287 = math.log %select_n3A_1286 : vector<56x128xf32>
    %mul3A_1288 = arith.mulf %div3A_804, %log3A_1287 : vector<56x128xf32>
    %exp3A_1289 = math.exp %mul3A_1288 : vector<56x128xf32>
    %jit3A_1290 = arith.constant 0.000000e+00 : f32
    %broadcast_in_dim3A_1291 = vector.broadcast %jit3A_1290 : f32 to vector<56x128xf32>
    %select_n3A_1292 = arith.select %gt3A_1283, %exp3A_1289, %broadcast_in_dim3A_1291 : vector<56x128xi1>, vector<56x128xf32>
    %reduce_sum3A_1293 = arith.constant dense<0.000000e+00> : vector<128xf32>
    %reduce_sum3A_1294 = vector.multi_reduction <add>, %select_n3A_1292, %reduce_sum3A_1293 [0] : vector<56x128xf32> to vector<128xf32>
    %broadcast_in_dim3A_1295 = vector.shape_cast %reduce_sum3A_1294 : vector<128xf32> to vector<1x128xf32>
    %max3A_1296 = arith.constant 9.99999996E-13 : f32
    %max3A_1297 = vector.broadcast %max3A_1296 : f32 to vector<1x128xf32>
    %max3A_1298 = arith.maximumf %broadcast_in_dim3A_1295, %max3A_1297 : vector<1x128xf32>
    %div3A_1299 = vector.broadcast %max3A_1298 : vector<1x128xf32> to vector<56x128xf32>
    %div3A_1300 = arith.divf %select_n3A_1292, %div3A_1299 : vector<56x128xf32>
    %transpose3A_1301 = tpu.transpose %div3A_1300, [1, 0] : vector<56x128xf32> -> vector<128x56xf32>
    %broadcast_in_dim3A_1302 = vector.shape_cast %transpose3A_1301 : vector<128x56xf32> to vector<128x56x1xf32>
    %broadcast_in_dim3A_1303 = vector.broadcast %broadcast_in_dim3A_1302 : vector<128x56x1xf32> to vector<128x56x64xf32>
    %mul3A_1304 = arith.mulf %broadcast_in_dim3A_1303, %reshape3A_689 : vector<128x56x64xf32>
    %reduce_sum3A_1305 = arith.constant dense<0.000000e+00> : vector<128x64xf32>
    %reduce_sum3A_1306 = vector.multi_reduction <add>, %mul3A_1304, %reduce_sum3A_1305 [1] : vector<128x56x64xf32> to vector<128x64xf32>
    %add3A_1307 = arith.addf %reduce_sum3A_668, %reduce_sum3A_1306 : vector<128x64xf32>
    %mul3A_1308 = arith.constant 5.000000e-01 : f32
    %mul3A_1309 = vector.broadcast %mul3A_1308 : f32 to vector<128x64xf32>
    %mul3A_1310 = arith.mulf %add3A_1307, %mul3A_1309 : vector<128x64xf32>
    %swap3A = arith.constant 0 : index
    %swap3A_1311 = arith.constant 0 : index
    %swap3A_1312 = vector.load %arg15[%swap3A, %swap3A_1311] : memref<128x64xf32, #tpu.memory_space<vmem>>, vector<128x64xf32>
    tpu.vector_store %arg15[%swap3A, %swap3A_1311], %mul3A_1310 {strides = array<i32>} : memref<128x64xf32, #tpu.memory_space<vmem>>, vector<128x64xf32>,
    return
  }
  func.func @transform_0(%arg0: i32) -> (i32, i32) {
    %c0_i32 = arith.constant 0 : i32
    %c0_i32_0 = arith.constant 0 : i32
    return %arg0, %c0_i32 : i32, i32
  }
  func.func @transform_1(%arg0: i32) -> (i32, i32) {
    %c0_i32 = arith.constant 0 : i32
    %c0_i32_0 = arith.constant 0 : i32
    return %arg0, %c0_i32 : i32, i32
  }
  func.func @transform_2(%arg0: i32) -> (i32, i32) {
    %c0_i32 = arith.constant 0 : i32
    %c0_i32_0 = arith.constant 0 : i32
    return %arg0, %c0_i32 : i32, i32
  }
  func.func @transform_3(%arg0: i32) -> (i32, i32) {
    %c0_i32 = arith.constant 0 : i32
    %c0_i32_0 = arith.constant 0 : i32
    %c0_i32_1 = arith.constant 0 : i32
    return %c0_i32, %c0_i32_0 : i32, i32
  }
  func.func @transform_4(%arg0: i32) -> (i32, i32) {
    %c0_i32 = arith.constant 0 : i32
    %c0_i32_0 = arith.constant 0 : i32
    %c0_i32_1 = arith.constant 0 : i32
    return %c0_i32, %c0_i32_0 : i32, i32
  }
  func.func @transform_5(%arg0: i32) -> (i32, i32) {
    %c0_i32 = arith.constant 0 : i32
    %c0_i32_0 = arith.constant 0 : i32
    %c0_i32_1 = arith.constant 0 : i32
    return %c0_i32, %c0_i32_0 : i32, i32
  }
  func.func @transform_6(%arg0: i32) -> (i32, i32) {
    %c0_i32 = arith.constant 0 : i32
    %c0_i32_0 = arith.constant 0 : i32
    %c0_i32_1 = arith.constant 0 : i32
    return %c0_i32, %c0_i32_0 : i32, i32
  }
  func.func @transform_7(%arg0: i32) -> (i32, i32) {
    %c0_i32 = arith.constant 0 : i32
    %c0_i32_0 = arith.constant 0 : i32
    %c0_i32_1 = arith.constant 0 : i32
    return %c0_i32, %c0_i32_0 : i32, i32
  }
  func.func @transform_8(%arg0: i32) -> (i32, i32, i32) {
    %c0_i32 = arith.constant 0 : i32
    %c0_i32_0 = arith.constant 0 : i32
    %c0_i32_1 = arith.constant 0 : i32
    %c0_i32_2 = arith.constant 0 : i32
    return %c0_i32, %c0_i32_0, %c0_i32_1 : i32, i32, i32
  }
  func.func @transform_9(%arg0: i32) -> (i32, i32) {
    %c0_i32 = arith.constant 0 : i32
    %c0_i32_0 = arith.constant 0 : i32
    %c0_i32_1 = arith.constant 0 : i32
    return %c0_i32, %c0_i32_0 : i32, i32
  }
  func.func @transform_10(%arg0: i32) -> (i32, i32, i32) {
    %c0_i32 = arith.constant 0 : i32
    %c0_i32_0 = arith.constant 0 : i32
    %c0_i32_1 = arith.constant 0 : i32
    %c0_i32_2 = arith.constant 0 : i32
    return %c0_i32, %c0_i32_0, %c0_i32_1 : i32, i32, i32
  }
  func.func @transform_11(%arg0: i32) -> (i32, i32) {
    %c0_i32 = arith.constant 0 : i32
    %c0_i32_0 = arith.constant 0 : i32
    %c0_i32_1 = arith.constant 0 : i32
    return %c0_i32, %c0_i32_0 : i32, i32
  }
  func.func @transform_12(%arg0: i32) -> (i32, i32) {
    %c0_i32 = arith.constant 0 : i32
    %c0_i32_0 = arith.constant 0 : i32
    %c0_i32_1 = arith.constant 0 : i32
    return %c0_i32, %c0_i32_0 : i32, i32
  }
  func.func @transform_13(%arg0: i32) -> (i32, i32) {
    %c0_i32 = arith.constant 0 : i32
    %c0_i32_0 = arith.constant 0 : i32
    %c0_i32_1 = arith.constant 0 : i32
    return %c0_i32, %c0_i32_0 : i32, i32
  }
  func.func @transform_14(%arg0: i32) -> (i32, i32) {
    %c0_i32 = arith.constant 0 : i32
    %c0_i32_0 = arith.constant 0 : i32
    return %arg0, %c0_i32 : i32, i32
  }
}

module attributes {stable_mosaic.version = 14 : i64} {
  func.func @_mlp_body(%arg0: memref<4096x64xf32, #tpu.memory_space<vmem>>, %arg1: memref<4096x64xf32, #tpu.memory_space<vmem>>, %arg2: memref<1x64xf32, #tpu.memory_space<vmem>>, %arg3: memref<1x64xf32, #tpu.memory_space<vmem>>, %arg4: memref<64x64xf32, #tpu.memory_space<vmem>>, %arg5: memref<1x64xf32, #tpu.memory_space<vmem>>, %arg6: memref<1x64xf32, #tpu.memory_space<vmem>>, %arg7: memref<1x64xf32, #tpu.memory_space<vmem>>, %arg8: memref<64x64xf32, #tpu.memory_space<vmem>>, %arg9: memref<1x64xf32, #tpu.memory_space<vmem>>, %arg10: memref<192x64xf32, #tpu.memory_space<vmem>>, %arg11: memref<1x64xf32, #tpu.memory_space<vmem>>, %arg12: memref<4096x64xf32, #tpu.memory_space<vmem>>) attributes {dimension_semantics = [], scalar_prefetch = 0 : i64, scratch_operands = 0 : i64, tpu.core_type = #tpu.core_type<tc>} {
    %get3A = arith.constant 0 : index
    %get3A_0 = arith.constant 0 : index
    %get3A_1 = vector.load %arg0[%get3A, %get3A_0] : memref<4096x64xf32, #tpu.memory_space<vmem>>, vector<4096x64xf32>
    %get3A_2 = arith.constant 0 : index
    %get3A_3 = arith.constant 0 : index
    %get3A_4 = vector.load %arg2[%get3A_2, %get3A_3] : memref<1x64xf32, #tpu.memory_space<vmem>>, vector<1x64xf32>
    %get3A_5 = arith.constant 0 : index
    %get3A_6 = arith.constant 0 : index
    %get3A_7 = vector.load %arg3[%get3A_5, %get3A_6] : memref<1x64xf32, #tpu.memory_space<vmem>>, vector<1x64xf32>
    %reduce_sum3A = arith.constant dense<0.000000e+00> : vector<64xf32>
    %reduce_sum3A_8 = vector.multi_reduction <add>, %get3A_1, %reduce_sum3A [0] : vector<4096x64xf32> to vector<64xf32>
    %broadcast_in_dim3A = vector.shape_cast %reduce_sum3A_8 : vector<64xf32> to vector<1x64xf32>
    %div3A = arith.constant 4.096000e+03 : f32
    %div3A_9 = vector.broadcast %div3A : f32 to vector<1x64xf32>
    %div3A_10 = arith.divf %broadcast_in_dim3A, %div3A_9 : vector<1x64xf32>
    %sub3A = vector.broadcast %div3A_10 : vector<1x64xf32> to vector<4096x64xf32>
    %sub3A_11 = arith.subf %get3A_1, %sub3A : vector<4096x64xf32>
    %integer_pow3A = arith.mulf %sub3A_11, %sub3A_11 : vector<4096x64xf32>
    %reduce_sum3A_12 = arith.constant dense<0.000000e+00> : vector<64xf32>
    %reduce_sum3A_13 = vector.multi_reduction <add>, %integer_pow3A, %reduce_sum3A_12 [0] : vector<4096x64xf32> to vector<64xf32>
    %broadcast_in_dim3A_14 = vector.shape_cast %reduce_sum3A_13 : vector<64xf32> to vector<1x64xf32>
    %div3A_15 = arith.constant 4.096000e+03 : f32
    %div3A_16 = vector.broadcast %div3A_15 : f32 to vector<1x64xf32>
    %div3A_17 = arith.divf %broadcast_in_dim3A_14, %div3A_16 : vector<1x64xf32>
    %sub3A_18 = vector.broadcast %div3A_10 : vector<1x64xf32> to vector<4096x64xf32>
    %sub3A_19 = arith.subf %get3A_1, %sub3A_18 : vector<4096x64xf32>
    %add3A = arith.constant 9.99999974E-6 : f32
    %add3A_20 = vector.broadcast %add3A : f32 to vector<1x64xf32>
    %add3A_21 = arith.addf %div3A_17, %add3A_20 : vector<1x64xf32>
    %sqrt3A = math.sqrt %add3A_21 : vector<1x64xf32>
    %div3A_22 = vector.broadcast %sqrt3A : vector<1x64xf32> to vector<4096x64xf32>
    %div3A_23 = arith.divf %sub3A_19, %div3A_22 : vector<4096x64xf32>
    %mul3A = vector.broadcast %get3A_4 : vector<1x64xf32> to vector<4096x64xf32>
    %mul3A_24 = arith.mulf %div3A_23, %mul3A : vector<4096x64xf32>
    %add3A_25 = vector.broadcast %get3A_7 : vector<1x64xf32> to vector<4096x64xf32>
    %add3A_26 = arith.addf %mul3A_24, %add3A_25 : vector<4096x64xf32>
    %get3A_27 = arith.constant 0 : index
    %get3A_28 = arith.constant 0 : index
    %get3A_29 = vector.load %arg4[%get3A_27, %get3A_28] : memref<64x64xf32, #tpu.memory_space<vmem>>, vector<64x64xf32>
    %dot_general3A = arith.constant dense<0.000000e+00> : vector<4096x64xf32>
    %dot_general3A_30 = tpu.matmul %add3A_26, %get3A_29, %dot_general3A {dimension_numbers = #tpu.dot_dimension_numbers<[1], [0], [0], [1], [0, 0, 1, 1], [], []>, transpose_lhs_hint = false} : vector<4096x64xf32>, vector<64x64xf32>, vector<4096x64xf32> -> vector<4096x64xf32>
    %get3A_31 = arith.constant 0 : index
    %get3A_32 = arith.constant 0 : index
    %get3A_33 = vector.load %arg5[%get3A_31, %get3A_32] : memref<1x64xf32, #tpu.memory_space<vmem>>, vector<1x64xf32>
    %add3A_34 = vector.broadcast %get3A_33 : vector<1x64xf32> to vector<4096x64xf32>
    %add3A_35 = arith.addf %dot_general3A_30, %add3A_34 : vector<4096x64xf32>
    %gt3A = arith.constant 0.000000e+00 : f32
    %gt3A_36 = vector.broadcast %gt3A : f32 to vector<4096x64xf32>
    %gt3A_37 = arith.cmpf ogt, %add3A_35, %gt3A_36 : vector<4096x64xf32>
    %exp3A = math.exp %add3A_35 : vector<4096x64xf32>
    %sub3A_38 = arith.constant 1.000000e+00 : f32
    %sub3A_39 = vector.broadcast %sub3A_38 : f32 to vector<4096x64xf32>
    %sub3A_40 = arith.subf %exp3A, %sub3A_39 : vector<4096x64xf32>
    %mul3A_41 = arith.constant 1.67326319 : f32
    %mul3A_42 = vector.broadcast %mul3A_41 : f32 to vector<4096x64xf32>
    %mul3A_43 = arith.mulf %mul3A_42, %sub3A_40 : vector<4096x64xf32>
    %select_n3A = arith.select %gt3A_37, %add3A_35, %mul3A_43 : vector<4096x64xi1>, vector<4096x64xf32>
    %mul3A_44 = arith.constant 1.05070102 : f32
    %mul3A_45 = vector.broadcast %mul3A_44 : f32 to vector<4096x64xf32>
    %mul3A_46 = arith.mulf %mul3A_45, %select_n3A : vector<4096x64xf32>
    %get3A_47 = arith.constant 0 : index
    %get3A_48 = arith.constant 0 : index
    %get3A_49 = vector.load %arg6[%get3A_47, %get3A_48] : memref<1x64xf32, #tpu.memory_space<vmem>>, vector<1x64xf32>
    %get3A_50 = arith.constant 0 : index
    %get3A_51 = arith.constant 0 : index
    %get3A_52 = vector.load %arg7[%get3A_50, %get3A_51] : memref<1x64xf32, #tpu.memory_space<vmem>>, vector<1x64xf32>
    %reduce_sum3A_53 = arith.constant dense<0.000000e+00> : vector<64xf32>
    %reduce_sum3A_54 = vector.multi_reduction <add>, %mul3A_46, %reduce_sum3A_53 [0] : vector<4096x64xf32> to vector<64xf32>
    %broadcast_in_dim3A_55 = vector.shape_cast %reduce_sum3A_54 : vector<64xf32> to vector<1x64xf32>
    %div3A_56 = arith.constant 4.096000e+03 : f32
    %div3A_57 = vector.broadcast %div3A_56 : f32 to vector<1x64xf32>
    %div3A_58 = arith.divf %broadcast_in_dim3A_55, %div3A_57 : vector<1x64xf32>
    %sub3A_59 = vector.broadcast %div3A_58 : vector<1x64xf32> to vector<4096x64xf32>
    %sub3A_60 = arith.subf %mul3A_46, %sub3A_59 : vector<4096x64xf32>
    %integer_pow3A_61 = arith.mulf %sub3A_60, %sub3A_60 : vector<4096x64xf32>
    %reduce_sum3A_62 = arith.constant dense<0.000000e+00> : vector<64xf32>
    %reduce_sum3A_63 = vector.multi_reduction <add>, %integer_pow3A_61, %reduce_sum3A_62 [0] : vector<4096x64xf32> to vector<64xf32>
    %broadcast_in_dim3A_64 = vector.shape_cast %reduce_sum3A_63 : vector<64xf32> to vector<1x64xf32>
    %div3A_65 = arith.constant 4.096000e+03 : f32
    %div3A_66 = vector.broadcast %div3A_65 : f32 to vector<1x64xf32>
    %div3A_67 = arith.divf %broadcast_in_dim3A_64, %div3A_66 : vector<1x64xf32>
    %sub3A_68 = vector.broadcast %div3A_58 : vector<1x64xf32> to vector<4096x64xf32>
    %sub3A_69 = arith.subf %mul3A_46, %sub3A_68 : vector<4096x64xf32>
    %add3A_70 = arith.constant 9.99999974E-6 : f32
    %add3A_71 = vector.broadcast %add3A_70 : f32 to vector<1x64xf32>
    %add3A_72 = arith.addf %div3A_67, %add3A_71 : vector<1x64xf32>
    %sqrt3A_73 = math.sqrt %add3A_72 : vector<1x64xf32>
    %div3A_74 = vector.broadcast %sqrt3A_73 : vector<1x64xf32> to vector<4096x64xf32>
    %div3A_75 = arith.divf %sub3A_69, %div3A_74 : vector<4096x64xf32>
    %mul3A_76 = vector.broadcast %get3A_49 : vector<1x64xf32> to vector<4096x64xf32>
    %mul3A_77 = arith.mulf %div3A_75, %mul3A_76 : vector<4096x64xf32>
    %add3A_78 = vector.broadcast %get3A_52 : vector<1x64xf32> to vector<4096x64xf32>
    %add3A_79 = arith.addf %mul3A_77, %add3A_78 : vector<4096x64xf32>
    %get3A_80 = arith.constant 0 : index
    %get3A_81 = arith.constant 0 : index
    %get3A_82 = vector.load %arg8[%get3A_80, %get3A_81] : memref<64x64xf32, #tpu.memory_space<vmem>>, vector<64x64xf32>
    %dot_general3A_83 = arith.constant dense<0.000000e+00> : vector<4096x64xf32>
    %dot_general3A_84 = tpu.matmul %add3A_79, %get3A_82, %dot_general3A_83 {dimension_numbers = #tpu.dot_dimension_numbers<[1], [0], [0], [1], [0, 0, 1, 1], [], []>, transpose_lhs_hint = false} : vector<4096x64xf32>, vector<64x64xf32>, vector<4096x64xf32> -> vector<4096x64xf32>
    %get3A_85 = arith.constant 0 : index
    %get3A_86 = arith.constant 0 : index
    %get3A_87 = vector.load %arg9[%get3A_85, %get3A_86] : memref<1x64xf32, #tpu.memory_space<vmem>>, vector<1x64xf32>
    %add3A_88 = vector.broadcast %get3A_87 : vector<1x64xf32> to vector<4096x64xf32>
    %add3A_89 = arith.addf %dot_general3A_84, %add3A_88 : vector<4096x64xf32>
    %get3A_90 = arith.constant 0 : index
    %get3A_91 = arith.constant 0 : index
    %get3A_92 = vector.load %arg1[%get3A_90, %get3A_91] : memref<4096x64xf32, #tpu.memory_space<vmem>>, vector<4096x64xf32>
    %get3A_93 = arith.constant 0 : index
    %get3A_94 = arith.constant 0 : index
    %get3A_95 = vector.load %arg10[%get3A_93, %get3A_94] : memref<192x64xf32, #tpu.memory_space<vmem>>, vector<64x64xf32>
    %dot_general3A_96 = arith.constant dense<0.000000e+00> : vector<4096x64xf32>
    %dot_general3A_97 = tpu.matmul %get3A_92, %get3A_95, %dot_general3A_96 {dimension_numbers = #tpu.dot_dimension_numbers<[1], [0], [0], [1], [0, 0, 1, 1], [], []>, transpose_lhs_hint = false} : vector<4096x64xf32>, vector<64x64xf32>, vector<4096x64xf32> -> vector<4096x64xf32>
    %get3A_98 = arith.constant 64 : index
    %get3A_99 = arith.constant 0 : index
    %get3A_100 = vector.load %arg10[%get3A_98, %get3A_99] : memref<192x64xf32, #tpu.memory_space<vmem>>, vector<64x64xf32>
    %dot_general3A_101 = arith.constant dense<0.000000e+00> : vector<4096x64xf32>
    %dot_general3A_102 = tpu.matmul %add3A_89, %get3A_100, %dot_general3A_101 {dimension_numbers = #tpu.dot_dimension_numbers<[1], [0], [0], [1], [0, 0, 1, 1], [], []>, transpose_lhs_hint = false} : vector<4096x64xf32>, vector<64x64xf32>, vector<4096x64xf32> -> vector<4096x64xf32>
    %add3A_103 = arith.addf %dot_general3A_97, %dot_general3A_102 : vector<4096x64xf32>
    %mul3A_104 = arith.mulf %get3A_92, %add3A_89 : vector<4096x64xf32>
    %get3A_105 = arith.constant 128 : index
    %get3A_106 = arith.constant 0 : index
    %get3A_107 = vector.load %arg10[%get3A_105, %get3A_106] : memref<192x64xf32, #tpu.memory_space<vmem>>, vector<64x64xf32>
    %dot_general3A_108 = arith.constant dense<0.000000e+00> : vector<4096x64xf32>
    %dot_general3A_109 = tpu.matmul %mul3A_104, %get3A_107, %dot_general3A_108 {dimension_numbers = #tpu.dot_dimension_numbers<[1], [0], [0], [1], [0, 0, 1, 1], [], []>, transpose_lhs_hint = false} : vector<4096x64xf32>, vector<64x64xf32>, vector<4096x64xf32> -> vector<4096x64xf32>
    %add3A_110 = arith.addf %add3A_103, %dot_general3A_109 : vector<4096x64xf32>
    %get3A_111 = arith.constant 0 : index
    %get3A_112 = arith.constant 0 : index
    %get3A_113 = vector.load %arg11[%get3A_111, %get3A_112] : memref<1x64xf32, #tpu.memory_space<vmem>>, vector<1x64xf32>
    %add3A_114 = vector.broadcast %get3A_113 : vector<1x64xf32> to vector<4096x64xf32>
    %add3A_115 = arith.addf %add3A_110, %add3A_114 : vector<4096x64xf32>
    %logistic3A = arith.negf %add3A_115 : vector<4096x64xf32>
    %logistic3A_116 = math.exp %logistic3A : vector<4096x64xf32>
    %logistic3A_117 = arith.constant 1.000000e+00 : f32
    %logistic3A_118 = vector.broadcast %logistic3A_117 : f32 to vector<4096x64xf32>
    %logistic3A_119 = arith.addf %logistic3A_118, %logistic3A_116 : vector<4096x64xf32>
    %logistic3A_120 = arith.divf %logistic3A_118, %logistic3A_119 : vector<4096x64xf32>
    %mul3A_121 = arith.mulf %logistic3A_120, %get3A_92 : vector<4096x64xf32>
    %sub3A_122 = arith.constant 1.000000e+00 : f32
    %sub3A_123 = vector.broadcast %sub3A_122 : f32 to vector<4096x64xf32>
    %sub3A_124 = arith.subf %sub3A_123, %logistic3A_120 : vector<4096x64xf32>
    %mul3A_125 = arith.mulf %sub3A_124, %add3A_89 : vector<4096x64xf32>
    %add3A_126 = arith.addf %mul3A_121, %mul3A_125 : vector<4096x64xf32>
    %swap3A = arith.constant 0 : index
    %swap3A_127 = arith.constant 0 : index
    %swap3A_128 = vector.load %arg12[%swap3A, %swap3A_127] : memref<4096x64xf32, #tpu.memory_space<vmem>>, vector<4096x64xf32>
    tpu.vector_store %arg12[%swap3A, %swap3A_127], %add3A_126 {strides = array<i32>} : memref<4096x64xf32, #tpu.memory_space<vmem>>, vector<4096x64xf32>,
    return
  }
}

</mosaic_0001>

<sc_bundles>
// kernel: kernel.5.cloned.1.call-start
scs
__scs_entry_jumppad:
0x0: {  	(pc) =	sbr.rel $0x88, $3  }
0x1: {  	(tag) =	ssettag $0x0;
	lr =	simm.s32 $0x1  }
0x2: {  	[smem:$0x3F87] =	sst lr;
	_ =	strace $0xD0000000  }
0x3: {  	_ = 	snop  }
0x4: {  	_ = 	snop  }
0x5: {  	_ = 	snop  }
0x6: {  	_ = 	snop  }
0x7: {  	_ = 	snop  }
__scs_overlays_trampoline_lowered:
0x8: {  	[smem:$0x3F96] =	sst s0  }
0x9: {  	[smem:$0x3F97] =	sst s1  }
0xa: {  	[smem:$0x3F98] =	sst s2  }
0xb: {  	[smem:$0x3F99] =	sst s3  }
0xc: {  	[smem:$0x3F9A] =	sst s4  }
0xd: {  	[smem:$0x3F9B] =	sst s5  }
0xe: {  	[smem:$0x3F9C] =	sst s6  }
0xf: {  	[smem:$0x3F9D] =	sst s7  }
0x10: {  	[smem:$0x3F9E] =	sst s8  }
0x11: {  	[smem:$0x3F9F] =	sst s9;
	s0 =	simm.s32 @!p0 $0x0  }
0x12: {  	s1 =	sld [smem:$0x3F85];
	s0 =	simm.s32 @p0 $0x1  }
0x13: {  	[smem:$0x3FA0] =	sst s0;
	s0 =	simm.s32 @!p1 $0x0  }
0x14: {  	s2 =	sld [smem:$0x3F84];
	s0 =	simm.s32 @p1 $0x1  }
0x15: {  	[smem:$0x3FA1] =	sst s0;
	s0 =	simm.s32 @!p2 $0x0  }
0x16: {  	s3 =	sld [smem:$0x3FDB];
	s0 =	simm.s32 @p2 $0x1  }
0x17: {  	s4 =	simm.s32 $0x1BF5;
	[smem:$0x3FA3] =	sst s0  }
0x18: {  	s0 =	sld [smem:$0x3F86];
	_ =	swait.ge [sflag:s4], $0x0  }
0x19: {  	s7 =	sld [smem:$0x3F87]  }
0x1a: {  	s8 =	sadd.s32 $0xFFFFE003, lr  }
0x1b: {  	s9 =	sadd.s32 $0xFFFFFEF7, lr;
	s5 =	simm.s32 $0xFFFFFFFF;
	p2 =	slt.u32 s8, $0xFFFFF086  }
0x1c: {  	p1 =	slt.u32 s9, $0xF7A;
	s5 =	simm.s32 @!p2 $0x0  }
0x1d: {  	s5 =	simm.s32 @p1 $0x1;
	p0 =	seq.s32 s7, s2  }
0x1e: {  	s7 =	smul.u32 @!p0 $0xF7A, s2;
	p2 =	seq.s32 @!p0 s5, $0x0  }
0x1f: {  	s9 =	smul.u32 $0xF7A, s1;
	s8 =	simm.s32 @!p0 $0x1BF5;
	p2 =	por !p2, p0  }
0x20: {  	[sflag:s8] =	ssyncset.s32 @!p0 $0xFFFFF086;
	s6 =	sadd.s32 @!p0 s3, s7;
	s7 =	simm.s32 @!p0 $0x108  }
0x21: {  	s3 =	sadd.s32 s3, s9;
	s6 =	sadd.s32 @!p0 $0x88, s6;
	s7 =	simm.s32 @p2 $0x1082  }
0x22: {  	[simem:s7], [sflag:s8] =	dma.local @!p0 [hbm:s6], $0xF7A  }
0x23: {  	s9 =	sor.u32 $0xD0000000, s2;
	s6 =	simm.s32 $0x108;
	_ =	swait.ge @!p0 [sflag:s8], $0x0  }
0x24: {  	s3 =	sadd.s32 $0x88, s3;
	s6 =	simm.s32 @!p1 $0x1082;
	[sflag:s4] =	ssyncset.s32 $0xFFFFF086  }
0x25: {  	[simem:s6], [sflag:s4] =	dma.local [hbm:s3], $0xF7A  }
0x26: {  	[smem:$0x3F87] =	sst s1;
	(tag) =	ssettag s2;
	_ =	strace s9  }
0x27: {  	s1 =	sld [smem:$0x3F97]  }
0x28: {  	s2 =	sld [smem:$0x3F98]  }
0x29: {  	s4 =	sld [smem:$0x3F9A]  }
0x2a: {  	p0 =	seq.s32 s5, $0x0;
	s5 =	sld [smem:$0x3F9B]  }
0x2b: {  	s6 =	sld [smem:$0x3F9C]  }
0x2c: {  	s7 =	sld [smem:$0x3F9D]  }
0x2d: {  	s3 =	simm.s32 $0x108;
	s8 =	sld [smem:$0x3F9E]  }
0x2e: {  	s3 =	simm.s32 @!p0 $0x1082;
	s9 =	sld [smem:$0x3F9F]  }
0x2f: {  	lr =	sadd.s32 s0, s3;
	s0 =	sld [smem:$0x3F96]  }
0x30: {  	s3 =	sld [smem:$0x3F99]  }
0x31: {  	[smem:$0x3FA2] =	sst s10  }
0x32: {  	s10 =	sld [smem:$0x3FA0];
	_ =	sdelay $0x3  }
0x33: {  	p0 =	seq.s32 s10, $0x1;
	s10 =	sld [smem:$0x3FA2];
	_ =	sdelay $0x3  }
0x34: {  	[smem:$0x3FA2] =	sst s10  }
0x35: {  	s10 =	sld [smem:$0x3FA1];
	_ =	sdelay $0x3  }
0x36: {  	p1 =	seq.s32 s10, $0x1;
	s10 =	sld [smem:$0x3FA2];
	_ =	sdelay $0x3  }
0x37: {  	[smem:$0x3FA2] =	sst s10  }
0x38: {  	s10 =	sld [smem:$0x3FA3]  }
0x39: {  	_ = 	snop;
	(pc) =	sbr.ind lr, $3  }
0x3a: {  	_ = 	snop  }
0x3b: {  	_ = 	snop  }
0x3c: {  	p2 =	seq.s32 s10, $0x1;
	s10 =	sld [smem:$0x3FA2]  }
0x3d: {  	_ =	shalt  }
0x3e: {  	_ =	shalt  }
0x3f: {  	_ =	shalt  }
0x40: {  	_ =	shalt  }
0x41: {  	_ =	shalt  }
0x42: {  	_ =	shalt  }
0x43: {  	_ =	shalt  }
0x44: {  	_ =	shalt  }
0x45: {  	_ =	shalt  }
0x46: {  	_ =	shalt  }
0x47: {  	_ =	shalt  }
0x48: {  	_ =	shalt  }
0x49: {  	_ =	shalt  }
0x4a: {  	_ =	shalt  }
0x4b: {  	_ =	shalt  }
0x4c: {  	_ =	shalt  }
0x4d: {  	_ =	shalt  }
0x4e: {  	_ =	shalt  }
0x4f: {  	_ =	shalt  }
0x50: {  	_ =	shalt  }
0x51: {  	_ =	shalt  }
0x52: {  	_ =	shalt  }
0x53: {  	_ =	shalt  }
0x54: {  	_ =	shalt  }
0x55: {  	_ =	shalt  }
0x56: {  	_ =	shalt  }
0x57: {  	_ =	shalt  }
0x58: {  	_ =	shalt  }
0x59: {  	_ =	shalt  }
0x5a: {  	_ =	shalt  }
0x5b: {  	_ =	shalt  }
0x5c: {  	_ =	shalt  }
0x5d: {  	_ =	shalt  }
0x5e: {  	_ =	shalt  }
0x5f: {  	_ =	shalt  }
0x60: {  	_ =	shalt  }
0x61: {  	_ =	shalt  }
0x62: {  	_ =	shalt  }
0x63: {  	_ =	shalt  }
0x64: {  	_ =	shalt  }
0x65: {  	_ =	shalt  }
0x66: {  	_ =	shalt  }
0x67: {  	_ =	shalt  }
0x68: {  	_ =	shalt  }
0x69: {  	_ =	shalt  }
0x6a: {  	_ =	shalt  }
0x6b: {  	_ =	shalt  }
0x6c: {  	_ =	shalt  }
0x6d: {  	_ =	shalt  }
0x6e: {  	_ =	shalt  }
0x6f: {  	_ =	shalt  }
0x70: {  	_ =	shalt  }
0x71: {  	_ =	shalt  }
0x72: {  	_ =	shalt  }
0x73: {  	_ =	shalt  }
0x74: {  	_ =	shalt  }
0x75: {  	_ =	shalt  }
0x76: {  	_ =	shalt  }
0x77: {  	_ =	shalt  }
0x78: {  	_ =	shalt  }
0x79: {  	_ =	shalt  }
0x7a: {  	_ =	shalt  }
0x7b: {  	_ =	shalt  }
0x7c: {  	_ =	shalt  }
0x7d: {  	_ =	shalt  }
0x7e: {  	_ =	shalt  }
0x7f: {  	_ =	shalt  }
0x80: {  	_ =	shalt  }
0x81: {  	_ =	shalt  }
0x82: {  	_ =	shalt  }
0x83: {  	_ =	shalt  }
0x84: {  	_ =	shalt  }
0x85: {  	_ =	shalt  }
0x86: {  	_ =	shalt  }
0x87: {  	_ =	shalt  }
.Lfunc_end0:
.L_simem_size_0:
called_computation_lowered:
.L_overlay_start_0:
0x88: {  	s2 =	sld [smem:$0x3FD9]  }
0x89: {  	s3 =	sld [smem:$0x3FFE];
	_ =	sdelay $0x1  }
0x8a: {  	s1 =	srdreg.scid  }
0x8b: {  	s0 =	sand.u32 $0x1, s1  }
0x8c: {  	s17 =	sshll.u32 s0, $0xA;
	s2 =	sadd.s32 s3, s2  }
0x8d: {  	s2 =	sadd.s32 s2, s17  }
0x8e: {  	[smem:$0x3FAE] =	sst s2  }
0x8f: {  	_ = 	snop  }
0x90: {  	s2 =	sld [smem:$0x3FC9]  }
0x91: {  	s18 =	sld [smem:$0x3FD0];
	(tm) =	ssettm $0x1  }
0x92: {  	s4 =	sld [smem:$0x3FFB];
	_ =	sdelay $0x3  }
0x93: {  	_ =	strace s4  }
0x94: {  	s4 =	sld [smem:$0x3FFC];
	_ =	sdelay $0x3  }
0x95: {  	_ =	strace s4  }
0x96: {  	s4 =	sld [smem:$0x3FFD];
	_ =	sdelay $0x3  }
0x97: {  	_ =	strace s4  }
0x98: {  	_ =	strace $0x8FFFFFFF  }
0x99: {  	s19 =	sld [smem:$0x3FDB];
	_ =	sdelay $0x1  }
0x9a: {  	s5 =	simm.s32 $_scs_section_size  }
0x9b: {  	s6 =	simm.s32 $_size__tile_overlayer_lowered;
	s7 =	simm.s32 $_tile_overlayer_lowered  }
0x9c: {  	s22 =	simm.s32 $0x1BFF;
	s21 =	sshll.u32 s7, $0x1;
	s4 =	sadd.s32 s5, s19  }
0x9d: {  	s8 =	simm.s32 $0x0;
	s20 =	sshll.u32 s6, $0x1;
	s6 =	sadd.s32 s21, s4  }
0x9e: {  	[timem:s8], [sflag:s22] =	dma.local [hbm:s6], s20  }
0x9f: {  	_ =	swait.ge [sflag:s22], s20  }
0xa0: {  	s5 =	ssub.s32 $0x0, s20;
	[sflag:s22] =	ssyncset.done $0x0  }
0xa1: {  	[sflag:s22] =	ssyncadd.s32 s5;
	_ =	sdelay $0x1  }
0xa2: {  	s23 =	simm.s32 $0x1B8B  }
0xa3: {  	_ =	swait.ge [sflag:s23], $0x1  }
0xa4: {  	[sflag:s23] =	ssyncset.done $0x0  }
0xa5: {  	s25 =	simm.s32 $0x1B8E;
	s24 =	sld [smem:$0x3FFE];
	[sflag:s23] =	ssyncadd.s32 $0xFFFFFFFF  }
0xa6: {  	s26 =	simm.s32 $execute0_lowered;
	[smem:$0x3FD2] =	sst s25  }
0xa7: {  	s6 =	sshll.u32 s26, $0x1;
	_ =	strace $0x80000046;
	[dreg:$0x1] =	wrdreg $0xFFFFFFFF  }
0xa8: {  	s28 =	simm.s32 $_size_execute0_lowered;
	s4 =	sadd.s32 s4, s6;
	[dreg:$0x0] =	wrdreg $0x0  }
0xa9: {  	s6 =	sshll.u32 s28, $0x1;
	[dreg:$0x2] =	wrdreg s4  }
0xaa: {  	[dreg:$0x3] =	wrdreg s6  }
0xab: {  	[dreg:$0x4] =	wrdreg $0xC0  }
0xac: {  	_ =	task [dreg:s8], $0x5FFFF  }
0xad: {  	[dreg:$0x1] =	wrdreg $0xFFFFFFFF  }
0xae: {  	[dreg:$0x0] =	wrdreg $0x60  }
0xaf: {  	[dreg:$0x2] =	wrdreg s24  }
0xb0: {  	[dreg:$0x3] =	wrdreg s2  }
0xb1: {  	[dreg:$0x4] =	wrdreg s18  }
0xb2: {  	[dreg:$0x5] =	wrdreg $0x9  }
0xb3: {  	_ =	task.clear_ibuf [dreg:s8], $0x6FFFF;
	_ =	strace $0x90000046  }
0xb4: {  	s29 =	simm.s32 $0x9;
	_ =	strace $0x80000048  }
0xb5: {  	_ =	swait.ge [sflag:s29], $0x1  }
0xb6: {  	[sflag:s29] =	ssyncadd.s32 $0xFFFFFFFF  }
0xb7: {  	_ =	strace $0x90000048  }
0xb8: {  	_ =	sfence  }
0xb9: {  	s30 =	sld [smem:$0x0];
	_ =	sdelay $0x2  }
0xba: {  	s31 =	sshll.u32 s1, $0xD;
	s1 =	sshrl.u32 s1, $0x2  }
0xbb: {  	s3 =	sand.u32 $0x4000, s31;
	s1 =	sadd.s32 s1, s30  }
0xbc: {  	s0 =	sor.u32 s3, s0;
	s1 =	sshll.u32 s1, $0x11  }
0xbd: {  	s0 =	sor.u32 s1, s0  }
0xbe: {  	s0 =	sadd.s32 $0x8F2B, s0  }
0xbf: {  	[sflag:s0] =	ssyncadd.remote.s32 $0x1  }
0xc0: {  	_ =	sfence.sel $0xFFFF  }
0xc1: {  	[dreg:$0x0] =	wrdreg $0xFFFFFFFF;
	(pc) =	sbr.abs _section_cstart, $3  }
0xc2: {  	[dreg:$0x1] =	wrdreg $0xFFFFFFFF  }
0xc3: {  	_ =	task.clear_ibuf [dreg:s8], $0x2FFFF;
	_ =	strace $0x9FFFFFFF  }
0xc4: {  	(tm) =	ssettm $0x7FFFFFFF  }
0xc5: {  	_ =	shalt  }
tec
execute0_lowered:
.L_overlay_start_1:
0x0: {  	(tag) =	ssettag $0x1  }
0x1: {  	s0 =	srdreg.scid;
	s1 =	stileid.u32  }
0x2: {  	s31 =	sand.u32 $0x1, s0;
	s21 =	sshll.u32 s1, $0x1  }
0x3: {  	s11 =	rddreg [dreg:$0x0];
	s1 =	sor.u32 s31, s21  }
0x4: {  	s26 =	rddreg [dreg:$0x1];
	s2 =	simm.s32 $0x0;
	s24 =	smul.u32 $0x1C00, s1  }
0x5: {  	[smem:$0x7FF] =	sst s2;
	s23 =	sadd.s32 $0x5400, s11  }
0x6: {  	s3 =	sadd.s32 $0x18BE00, s11;
	_ =	strace $0x80000047;
	s4 =	sshrl.u32 s24, $0x3  }
0x7: {  	[dreg:$0x4] =	wrdreg s3;
	s3 =	simm.s32 $0x3;
	s4 =	sadd.s32 s23, s4  }
0x8: {  	[tilespmem:s2], [sflag:$0x3] =	stream.linear.gather [hbm4b:s4+s2], $0x380, $0x38;
	[tilespmem:$0x1E780] =	vst v63  }
0x9: {  	_ =	swait.ge [sflag:s3], $0x380  }
0xa: {  	s6 =	simm.s32 $0x380;
	s14 =	sor.u32 $0x380, s24;
	[sflag:s3] =	ssyncset.done $0x0  }
0xb: {  	s5 =	sadd.s32 $0x24F400, s11;
	s7 =	sshrl.u32 s14, $0x3;
	[sflag:s3] =	ssyncadd.s32 $0xFFFFFC80  }
0xc: {  	[tilespmem:s6], [sflag:$0x1] =	stream.indirect.gather [hbm4b:s5+s6], $0x40, s2, s6, $0xb8;
	[tilespmem:$0x1E780] =	vst v63  }
0xd: {  	s8 =	simm.s32 $0xE380;
	s7 =	sadd.s32 s23, s7  }
0xe: {  	[tilespmem:s8], [sflag:$0x3] =	stream.linear.gather [hbm4b:s7+s2], $0x380, $0x38;
	[tilespmem:$0x1E780] =	vst v63  }
0xf: {  	_ =	swait.ge [sflag:s3], $0x380  }
0x10: {  	[sflag:s3] =	ssyncset.done $0x0  }
0x11: {  	s9 =	simm.s32 $0xE700;
	s10 =	simm.s32 $0x1;
	[sflag:s3] =	ssyncadd.s32 $0xFFFFFC80  }
0x12: {  	[tilespmem:s9], [sflag:$0x2] =	stream.indirect.gather [hbm4b:s5+s6], $0x40, s8, s6, $0xb8;
	[tilespmem:$0x1E780] =	vst v63  }
0x13: {  	s12 =	smul.u32 $0xE000, s1;
	_ =	swait.ge [sflag:s10], $0xE000  }
0x14: {  	s25 =	sadd.s32 $0x312A00, s11;
	[sflag:s10] =	ssyncset.done $0x0  }
0x15: {  	s11 =	sadd.s32 s25, s12;
	[sflag:s10] =	ssyncadd.s32 $0xFFFF2000  }
0x16: {  	[hbm4b:s11+s2] =	stream.linear.scatter [tilespmem:s6], [sflag:$0x3], $0xE000, $0x38;
	[tilespmem:$0x1E780] =	vst v63  }
0x17: {  	s16 =	sadd.s32 $0x700, s24;
	_ =	swait.ge [sflag:s3], $0xE000  }
0x18: {  	s22 =	sshrl.u32 s16, $0x3;
	[sflag:s3] =	ssyncset.done $0x0  }
0x19: {  	s12 =	sadd.s32 s23, s22;
	[sflag:s3] =	ssyncadd.s32 $0xFFFF2000  }
0x1a: {  	[tilespmem:s2], [sflag:$0x3] =	stream.linear.gather [hbm4b:s12+s2], $0x380, $0x38;
	[tilespmem:$0x1E780] =	vst v63  }
0x1b: {  	_ =	swait.ge [sflag:s3], $0x380  }
0x1c: {  	[sflag:s3] =	ssyncset.done $0x0  }
0x1d: {  	s13 =	simm.s32 $0x2;
	[sflag:s3] =	ssyncadd.s32 $0xFFFFFC80  }
0x1e: {  	[tilespmem:s6], [sflag:$0x1] =	stream.indirect.gather [hbm4b:s5+s6], $0x40, s2, s6, $0xb8;
	[tilespmem:$0x1E780] =	vst v63  }
0x1f: {  	_ =	swait.ge [sflag:s13], $0xE000  }
0x20: {  	s14 =	sshll.u32 s14, $0x3;
	[sflag:s13] =	ssyncset.done $0x0  }
0x21: {  	s14 =	sadd.s32 s25, s14;
	[sflag:s13] =	ssyncadd.s32 $0xFFFF2000  }
0x22: {  	[hbm4b:s14+s2] =	stream.linear.scatter [tilespmem:s9], [sflag:$0x3], $0xE000, $0x38;
	[tilespmem:$0x1E780] =	vst v63  }
0x23: {  	s18 =	sadd.s32 $0xA80, s24;
	_ =	swait.ge [sflag:s3], $0xE000  }
0x24: {  	s15 =	sshrl.u32 s18, $0x3;
	[sflag:s3] =	ssyncset.done $0x0  }
0x25: {  	s15 =	sadd.s32 s23, s15;
	[sflag:s3] =	ssyncadd.s32 $0xFFFF2000  }
0x26: {  	[tilespmem:s8], [sflag:$0x3] =	stream.linear.gather [hbm4b:s15+s2], $0x380, $0x38;
	[tilespmem:$0x1E780] =	vst v63  }
0x27: {  	_ =	swait.ge [sflag:s3], $0x380  }
0x28: {  	[sflag:s3] =	ssyncset.done $0x0  }
0x29: {  	[sflag:s3] =	ssyncadd.s32 $0xFFFFFC80  }
0x2a: {  	[tilespmem:s9], [sflag:$0x2] =	stream.indirect.gather [hbm4b:s5+s6], $0x40, s8, s6, $0xb8;
	[tilespmem:$0x1E780] =	vst v63  }
0x2b: {  	_ =	swait.ge [sflag:s10], $0xE000  }
0x2c: {  	s16 =	sshll.u32 s16, $0x3;
	[sflag:s10] =	ssyncset.done $0x0  }
0x2d: {  	s16 =	sadd.s32 s25, s16;
	[sflag:s10] =	ssyncadd.s32 $0xFFFF2000  }
0x2e: {  	[hbm4b:s16+s2] =	stream.linear.scatter [tilespmem:s6], [sflag:$0x3], $0xE000, $0x38;
	[tilespmem:$0x1E780] =	vst v63  }
0x2f: {  	s20 =	sadd.s32 $0xE00, s24;
	_ =	swait.ge [sflag:s3], $0xE000  }
0x30: {  	s17 =	sshrl.u32 s20, $0x3;
	[sflag:s3] =	ssyncset.done $0x0  }
0x31: {  	s17 =	sadd.s32 s23, s17;
	[sflag:s3] =	ssyncadd.s32 $0xFFFF2000  }
0x32: {  	[tilespmem:s2], [sflag:$0x3] =	stream.linear.gather [hbm4b:s17+s2], $0x380, $0x38;
	[tilespmem:$0x1E780] =	vst v63  }
0x33: {  	_ =	swait.ge [sflag:s3], $0x380  }
0x34: {  	[sflag:s3] =	ssyncset.done $0x0  }
0x35: {  	[sflag:s3] =	ssyncadd.s32 $0xFFFFFC80  }
0x36: {  	[tilespmem:s6], [sflag:$0x1] =	stream.indirect.gather [hbm4b:s5+s6], $0x40, s2, s6, $0xb8;
	[tilespmem:$0x1E780] =	vst v63  }
0x37: {  	_ =	swait.ge [sflag:s13], $0xE000  }
0x38: {  	s18 =	sshll.u32 s18, $0x3;
	[sflag:s13] =	ssyncset.done $0x0  }
0x39: {  	s18 =	sadd.s32 s25, s18;
	[sflag:s13] =	ssyncadd.s32 $0xFFFF2000  }
0x3a: {  	[hbm4b:s18+s2] =	stream.linear.scatter [tilespmem:s9], [sflag:$0x3], $0xE000, $0x38;
	[tilespmem:$0x1E780] =	vst v63  }
0x3b: {  	s22 =	sadd.s32 $0x1180, s24;
	_ =	swait.ge [sflag:s3], $0xE000  }
0x3c: {  	s19 =	sshrl.u32 s22, $0x3;
	[sflag:s3] =	ssyncset.done $0x0  }
0x3d: {  	s19 =	sadd.s32 s23, s19;
	[sflag:s3] =	ssyncadd.s32 $0xFFFF2000  }
0x3e: {  	[tilespmem:s8], [sflag:$0x3] =	stream.linear.gather [hbm4b:s19+s2], $0x380, $0x38;
	[tilespmem:$0x1E780] =	vst v63  }
0x3f: {  	_ =	swait.ge [sflag:s3], $0x380  }
0x40: {  	[sflag:s3] =	ssyncset.done $0x0  }
0x41: {  	[sflag:s3] =	ssyncadd.s32 $0xFFFFFC80  }
0x42: {  	[tilespmem:s9], [sflag:$0x2] =	stream.indirect.gather [hbm4b:s5+s6], $0x40, s8, s6, $0xb8;
	[tilespmem:$0x1E780] =	vst v63  }
0x43: {  	_ =	swait.ge [sflag:s10], $0xE000  }
0x44: {  	s20 =	sshll.u32 s20, $0x3;
	[sflag:s10] =	ssyncset.done $0x0  }
0x45: {  	s20 =	sadd.s32 s25, s20;
	[sflag:s10] =	ssyncadd.s32 $0xFFFF2000  }
0x46: {  	[hbm4b:s20+s2] =	stream.linear.scatter [tilespmem:s6], [sflag:$0x3], $0xE000, $0x38;
	[tilespmem:$0x1E780] =	vst v63  }
0x47: {  	s28 =	sadd.s32 $0x1500, s24;
	_ =	swait.ge [sflag:s3], $0xE000  }
0x48: {  	s21 =	sshrl.u32 s28, $0x3;
	[sflag:s3] =	ssyncset.done $0x0  }
0x49: {  	s21 =	sadd.s32 s23, s21;
	[sflag:s3] =	ssyncadd.s32 $0xFFFF2000  }
0x4a: {  	[tilespmem:s2], [sflag:$0x3] =	stream.linear.gather [hbm4b:s21+s2], $0x380, $0x38;
	[tilespmem:$0x1E780] =	vst v63  }
0x4b: {  	_ =	swait.ge [sflag:s3], $0x380  }
0x4c: {  	[sflag:s3] =	ssyncset.done $0x0  }
0x4d: {  	[sflag:s3] =	ssyncadd.s32 $0xFFFFFC80  }
0x4e: {  	[tilespmem:s6], [sflag:$0x1] =	stream.indirect.gather [hbm4b:s5+s6], $0x40, s2, s6, $0xb8;
	[tilespmem:$0x1E780] =	vst v63  }
0x4f: {  	_ =	swait.ge [sflag:s13], $0xE000  }
0x50: {  	s22 =	sshll.u32 s22, $0x3;
	[sflag:s13] =	ssyncset.done $0x0  }
0x51: {  	s22 =	sadd.s32 s25, s22;
	[sflag:s13] =	ssyncadd.s32 $0xFFFF2000  }
0x52: {  	[hbm4b:s22+s2] =	stream.linear.scatter [tilespmem:s9], [sflag:$0x3], $0xE000, $0x38;
	[tilespmem:$0x1E780] =	vst v63  }
0x53: {  	s29 =	sadd.s32 $0x1880, s24;
	_ =	swait.ge [sflag:s3], $0xE000  }
0x54: {  	s24 =	sshrl.u32 s29, $0x3;
	[sflag:s3] =	ssyncset.done $0x0  }
0x55: {  	s23 =	sadd.s32 s23, s24;
	[sflag:s3] =	ssyncadd.s32 $0xFFFF2000  }
0x56: {  	[tilespmem:s8], [sflag:$0x3] =	stream.linear.gather [hbm4b:s23+s2], $0x380, $0x38;
	[tilespmem:$0x1E780] =	vst v63  }
0x57: {  	_ =	swait.ge [sflag:s3], $0x380  }
0x58: {  	[sflag:s3] =	ssyncset.done $0x0  }
0x59: {  	[sflag:s3] =	ssyncadd.s32 $0xFFFFFC80  }
0x5a: {  	[tilespmem:s9], [sflag:$0x2] =	stream.indirect.gather [hbm4b:s5+s6], $0x40, s8, s6, $0xb8;
	[tilespmem:$0x1E780] =	vst v63  }
0x5b: {  	_ =	swait.ge [sflag:s10], $0xE000  }
0x5c: {  	s0 =	sshll.u32 s28, $0x3;
	[sflag:s10] =	ssyncset.done $0x0  }
0x5d: {  	s24 =	sadd.s32 s25, s0;
	[sflag:s10] =	ssyncadd.s32 $0xFFFF2000  }
0x5e: {  	[hbm4b:s24+s2] =	stream.linear.scatter [tilespmem:s6], [sflag:$0x3], $0xE000, $0x38;
	[tilespmem:$0x1E780] =	vst v63  }
0x5f: {  	_ =	swait.ge [sflag:s3], $0xE000  }
0x60: {  	[sflag:s3] =	ssyncset.done $0x0  }
0x61: {  	[sflag:s3] =	ssyncadd.s32 $0xFFFF2000  }
0x62: {  	_ =	swait.ge [sflag:s13], $0xE000  }
0x63: {  	s28 =	sshll.u32 s29, $0x3;
	[sflag:s13] =	ssyncset.done $0x0  }
0x64: {  	s25 =	sadd.s32 s25, s28;
	[sflag:s13] =	ssyncadd.s32 $0xFFFF2000  }
0x65: {  	[hbm4b:s25+s2] =	stream.linear.scatter [tilespmem:s9], [sflag:$0x3], $0xE000, $0x38;
	[tilespmem:$0x1E780] =	vst v63  }
0x66: {  	_ =	swait.ge [sflag:s3], $0xE000  }
0x67: {  	s28 =	sshll.u32 s1, $0x4;
	[sflag:s3] =	ssyncset.done $0x0  }
0x68: {  	s26 =	sadd.s32 s26, s28;
	s28 =	simm.s32 $0x1C700;
	[sflag:s3] =	ssyncadd.s32 $0xFFFF2000  }
0x69: {  	[tilespmem:s28], [sflag:$0x3] =	stream.linear.gather [hbm4b:s26+s2], $0x80, $0x38;
	[tilespmem:$0x1E780] =	vst v63  }
0x6a: {  	_ =	swait.ge [sflag:s3], $0x80  }
0x6b: {  	s30 =	simm.s32 $0x1C780;
	[sflag:s3] =	ssyncset.done $0x0  }
0x6c: {  	s29 =	simm.s32 $0x80;
	s0 =	rddreg [dreg:$0x4];
	[sflag:s3] =	ssyncadd.s32 $0xFFFFFF80  }
0x6d: {  	[tilespmem:s30], [sflag:$0x1] =	stream.indirect.gather [hbm4b:s0+s29], $0x40, s28, s29, $0xb8;
	[tilespmem:$0x1E780] =	vst v63  }
0x6e: {  	s0 =	ssub.s32 $0x2, s31  }
0x6f: {  	s31 =	sshrl.u32 s0, $0x1  }
0x70: {  	s0 =	ssub.s32 s0, s31  }
0x71: {  	_ =	swait.ge [sflag:s10], $0x2000;
	s0 =	smax.u32 s0, $0x1  }
0x72: {  	[sflag:s10] =	ssyncset.done $0x0;
	p0 =	sne.s32 s0, $0x1  }
.Ltmp0:
0x73: {  	s1 =	sshll.u32 s1, $0xA;
	s31 =	rddreg [dreg:$0x2];
	(pc) =	sbr.rel @!p0 .LBB2_2-.Ltmp0, $4  }
0x74: {  	[sflag:s10] =	ssyncadd.s32 $0xFFFFE000;
	s31 =	sadd.s32 s31, s1  }
0x75: {  	[hbm4b:s31+s2] =	stream.linear.scatter [tilespmem:s30], [sflag:$0x3], $0x2000, $0x38;
	[tilespmem:$0x1E780] =	vst v63  }
0x76: {  	_ =	swait.ge [sflag:s3], $0x2000  }
0x77: {  	s1 =	sadd.s32 $0xFFFFFFFF, s0;
	[sflag:s3] =	ssyncset.done $0x0  }
.LBB2_1:
0x78: {  	[sflag:s3] =	ssyncadd.s32 $0xFFFFE000  }
0x79: {  	[tilespmem:s2], [sflag:$0x3] =	stream.linear.gather [hbm4b:s4+s2], $0x380, $0x38;
	[tilespmem:$0x1E780] =	vst v63  }
0x7a: {  	_ =	swait.ge [sflag:s3], $0x380  }
0x7b: {  	[sflag:s3] =	ssyncset.done $0x0  }
0x7c: {  	[sflag:s3] =	ssyncadd.s32 $0xFFFFFC80  }
0x7d: {  	[tilespmem:s6], [sflag:$0x1] =	stream.indirect.gather [hbm4b:s5+s6], $0x40, s2, s6, $0xb8;
	[tilespmem:$0x1E780] =	vst v63  }
0x7e: {  	_ = 	snop  }
0x7f: {  	[tilespmem:s8], [sflag:$0x3] =	stream.linear.gather [hbm4b:s7+s2], $0x380, $0x38;
	[tilespmem:$0x1E780] =	vst v63  }
0x80: {  	_ =	swait.ge [sflag:s3], $0x380  }
0x81: {  	[sflag:s3] =	ssyncset.done $0x0  }
0x82: {  	[sflag:s3] =	ssyncadd.s32 $0xFFFFFC80  }
0x83: {  	[tilespmem:s9], [sflag:$0x2] =	stream.indirect.gather [hbm4b:s5+s6], $0x40, s8, s6, $0xb8;
	[tilespmem:$0x1E780] =	vst v63  }
0x84: {  	_ =	swait.ge [sflag:s10], $0xE000  }
0x85: {  	[sflag:s10] =	ssyncset.done $0x0  }
0x86: {  	[sflag:s10] =	ssyncadd.s32 $0xFFFF2000  }
0x87: {  	[hbm4b:s11+s2] =	stream.linear.scatter [tilespmem:s6], [sflag:$0x3], $0xE000, $0x38;
	[tilespmem:$0x1E780] =	vst v63  }
0x88: {  	_ =	swait.ge [sflag:s3], $0xE000  }
0x89: {  	[sflag:s3] =	ssyncset.done $0x0  }
0x8a: {  	[sflag:s3] =	ssyncadd.s32 $0xFFFF2000  }
0x8b: {  	[tilespmem:s2], [sflag:$0x3] =	stream.linear.gather [hbm4b:s12+s2], $0x380, $0x38;
	[tilespmem:$0x1E780] =	vst v63  }
0x8c: {  	_ =	swait.ge [sflag:s3], $0x380  }
0x8d: {  	[sflag:s3] =	ssyncset.done $0x0  }
0x8e: {  	[sflag:s3] =	ssyncadd.s32 $0xFFFFFC80  }
0x8f: {  	[tilespmem:s6], [sflag:$0x1] =	stream.indirect.gather [hbm4b:s5+s6], $0x40, s2, s6, $0xb8;
	[tilespmem:$0x1E780] =	vst v63  }
0x90: {  	_ =	swait.ge [sflag:s13], $0xE000  }
0x91: {  	[sflag:s13] =	ssyncset.done $0x0  }
0x92: {  	[sflag:s13] =	ssyncadd.s32 $0xFFFF2000  }
0x93: {  	[hbm4b:s14+s2] =	stream.linear.scatter [tilespmem:s9], [sflag:$0x3], $0xE000, $0x38;
	[tilespmem:$0x1E780] =	vst v63  }
0x94: {  	_ =	swait.ge [sflag:s3], $0xE000  }
0x95: {  	[sflag:s3] =	ssyncset.done $0x0  }
0x96: {  	[sflag:s3] =	ssyncadd.s32 $0xFFFF2000  }
0x97: {  	[tilespmem:s8], [sflag:$0x3] =	stream.linear.gather [hbm4b:s15+s2], $0x380, $0x38;
	[tilespmem:$0x1E780] =	vst v63  }
0x98: {  	_ =	swait.ge [sflag:s3], $0x380  }
0x99: {  	[sflag:s3] =	ssyncset.done $0x0  }
0x9a: {  	[sflag:s3] =	ssyncadd.s32 $0xFFFFFC80  }
0x9b: {  	[tilespmem:s9], [sflag:$0x2] =	stream.indirect.gather [hbm4b:s5+s6], $0x40, s8, s6, $0xb8;
	[tilespmem:$0x1E780] =	vst v63  }
0x9c: {  	_ =	swait.ge [sflag:s10], $0xE000  }
0x9d: {  	[sflag:s10] =	ssyncset.done $0x0  }
0x9e: {  	[sflag:s10] =	ssyncadd.s32 $0xFFFF2000  }
0x9f: {  	[hbm4b:s16+s2] =	stream.linear.scatter [tilespmem:s6], [sflag:$0x3], $0xE000, $0x38;
	[tilespmem:$0x1E780] =	vst v63  }
0xa0: {  	_ =	swait.ge [sflag:s3], $0xE000  }
0xa1: {  	[sflag:s3] =	ssyncset.done $0x0  }
0xa2: {  	[sflag:s3] =	ssyncadd.s32 $0xFFFF2000  }
0xa3: {  	[tilespmem:s2], [sflag:$0x3] =	stream.linear.gather [hbm4b:s17+s2], $0x380, $0x38;
	[tilespmem:$0x1E780] =	vst v63  }
0xa4: {  	_ =	swait.ge [sflag:s3], $0x380  }
0xa5: {  	[sflag:s3] =	ssyncset.done $0x0  }
0xa6: {  	[sflag:s3] =	ssyncadd.s32 $0xFFFFFC80  }
0xa7: {  	[tilespmem:s6], [sflag:$0x1] =	stream.indirect.gather [hbm4b:s5+s6], $0x40, s2, s6, $0xb8;
	[tilespmem:$0x1E780] =	vst v63  }
0xa8: {  	_ =	swait.ge [sflag:s13], $0xE000  }
0xa9: {  	[sflag:s13] =	ssyncset.done $0x0  }
0xaa: {  	[sflag:s13] =	ssyncadd.s32 $0xFFFF2000  }
0xab: {  	[hbm4b:s18+s2] =	stream.linear.scatter [tilespmem:s9], [sflag:$0x3], $0xE000, $0x38;
	[tilespmem:$0x1E780] =	vst v63  }
0xac: {  	_ =	swait.ge [sflag:s3], $0xE000  }
0xad: {  	[sflag:s3] =	ssyncset.done $0x0  }
0xae: {  	[sflag:s3] =	ssyncadd.s32 $0xFFFF2000  }
0xaf: {  	[tilespmem:s8], [sflag:$0x3] =	stream.linear.gather [hbm4b:s19+s2], $0x380, $0x38;
	[tilespmem:$0x1E780] =	vst v63  }
0xb0: {  	_ =	swait.ge [sflag:s3], $0x380  }
0xb1: {  	[sflag:s3] =	ssyncset.done $0x0  }
0xb2: {  	[sflag:s3] =	ssyncadd.s32 $0xFFFFFC80  }
0xb3: {  	[tilespmem:s9], [sflag:$0x2] =	stream.indirect.gather [hbm4b:s5+s6], $0x40, s8, s6, $0xb8;
	[tilespmem:$0x1E780] =	vst v63  }
0xb4: {  	_ =	swait.ge [sflag:s10], $0xE000  }
0xb5: {  	[sflag:s10] =	ssyncset.done $0x0  }
0xb6: {  	[sflag:s10] =	ssyncadd.s32 $0xFFFF2000  }
0xb7: {  	[hbm4b:s20+s2] =	stream.linear.scatter [tilespmem:s6], [sflag:$0x3], $0xE000, $0x38;
	[tilespmem:$0x1E780] =	vst v63  }
0xb8: {  	_ =	swait.ge [sflag:s3], $0xE000  }
0xb9: {  	[sflag:s3] =	ssyncset.done $0x0  }
0xba: {  	[sflag:s3] =	ssyncadd.s32 $0xFFFF2000  }
0xbb: {  	[tilespmem:s2], [sflag:$0x3] =	stream.linear.gather [hbm4b:s21+s2], $0x380, $0x38;
	[tilespmem:$0x1E780] =	vst v63  }
0xbc: {  	_ =	swait.ge [sflag:s3], $0x380  }
0xbd: {  	[sflag:s3] =	ssyncset.done $0x0  }
0xbe: {  	[sflag:s3] =	ssyncadd.s32 $0xFFFFFC80  }
0xbf: {  	[tilespmem:s6], [sflag:$0x1] =	stream.indirect.gather [hbm4b:s5+s6], $0x40, s2, s6, $0xb8;
	[tilespmem:$0x1E780] =	vst v63  }
0xc0: {  	_ =	swait.ge [sflag:s13], $0xE000  }
0xc1: {  	[sflag:s13] =	ssyncset.done $0x0  }
0xc2: {  	[sflag:s13] =	ssyncadd.s32 $0xFFFF2000  }
0xc3: {  	[hbm4b:s22+s2] =	stream.linear.scatter [tilespmem:s9], [sflag:$0x3], $0xE000, $0x38;
	[tilespmem:$0x1E780] =	vst v63  }
0xc4: {  	_ =	swait.ge [sflag:s3], $0xE000  }
0xc5: {  	[sflag:s3] =	ssyncset.done $0x0  }
0xc6: {  	[sflag:s3] =	ssyncadd.s32 $0xFFFF2000  }
0xc7: {  	[tilespmem:s8], [sflag:$0x3] =	stream.linear.gather [hbm4b:s23+s2], $0x380, $0x38;
	[tilespmem:$0x1E780] =	vst v63  }
0xc8: {  	_ =	swait.ge [sflag:s3], $0x380  }
0xc9: {  	[sflag:s3] =	ssyncset.done $0x0  }
0xca: {  	[sflag:s3] =	ssyncadd.s32 $0xFFFFFC80  }
0xcb: {  	[tilespmem:s9], [sflag:$0x2] =	stream.indirect.gather [hbm4b:s5+s6], $0x40, s8, s6, $0xb8;
	[tilespmem:$0x1E780] =	vst v63  }
0xcc: {  	_ =	swait.ge [sflag:s10], $0xE000  }
0xcd: {  	[sflag:s10] =	ssyncset.done $0x0  }
0xce: {  	[sflag:s10] =	ssyncadd.s32 $0xFFFF2000  }
0xcf: {  	[hbm4b:s24+s2] =	stream.linear.scatter [tilespmem:s6], [sflag:$0x3], $0xE000, $0x38;
	[tilespmem:$0x1E780] =	vst v63  }
0xd0: {  	_ =	swait.ge [sflag:s3], $0xE000  }
0xd1: {  	[sflag:s3] =	ssyncset.done $0x0  }
0xd2: {  	[sflag:s3] =	ssyncadd.s32 $0xFFFF2000  }
0xd3: {  	_ =	swait.ge [sflag:s13], $0xE000  }
0xd4: {  	[sflag:s13] =	ssyncset.done $0x0  }
0xd5: {  	[sflag:s13] =	ssyncadd.s32 $0xFFFF2000  }
0xd6: {  	[hbm4b:s25+s2] =	stream.linear.scatter [tilespmem:s9], [sflag:$0x3], $0xE000, $0x38;
	[tilespmem:$0x1E780] =	vst v63  }
0xd7: {  	_ =	swait.ge [sflag:s3], $0xE000  }
0xd8: {  	[sflag:s3] =	ssyncset.done $0x0  }
0xd9: {  	[sflag:s3] =	ssyncadd.s32 $0xFFFF2000  }
0xda: {  	[tilespmem:s28], [sflag:$0x3] =	stream.linear.gather [hbm4b:s26+s2], $0x80, $0x38;
	[tilespmem:$0x1E780] =	vst v63  }
0xdb: {  	_ =	swait.ge [sflag:s3], $0x80  }
0xdc: {  	[sflag:s3] =	ssyncset.done $0x0  }
0xdd: {  	s0 =	rddreg [dreg:$0x4];
	[sflag:s3] =	ssyncadd.s32 $0xFFFFFF80  }
0xde: {  	[tilespmem:s30], [sflag:$0x1] =	stream.indirect.gather [hbm4b:s0+s29], $0x40, s28, s29, $0xb8;
	[tilespmem:$0x1E780] =	vst v63  }
0xdf: {  	p0 =	sne.s32 s1, $0x1;
	_ =	swait.ge [sflag:s10], $0x2000  }
.Ltmp1:
0xe0: {  	[sflag:s10] =	ssyncset.done $0x0;
	(pc) =	sbr.rel @p0 .LBB2_1-.Ltmp1, $4  }
0xe1: {  	[sflag:s10] =	ssyncadd.s32 $0xFFFFE000  }
0xe2: {  	[hbm4b:s31+s2] =	stream.linear.scatter [tilespmem:s30], [sflag:$0x3], $0x2000, $0x38;
	[tilespmem:$0x1E780] =	vst v63  }
0xe3: {  	_ =	swait.ge [sflag:s3], $0x2000  }
0xe4: {  	s1 =	sadd.s32 $0xFFFFFFFF, s1;
	[sflag:s3] =	ssyncset.done $0x0  }
.LBB2_2:
0xe5: {  	[sflag:s3] =	ssyncadd.s32 $0xFFFFE000  }
0xe6: {  	_ =	sfence.sel $0x180000  }
0xe7: {  	[bflag:$0x0] =	sbarrier.arrive $0xFFFF  }
0xe8: {  	_ =	strace $0x90000047  }
0xe9: {  	s0 =	stileid.u32;
	[bflag:$0x2] =	sbarrier.arrive $0xFFFF  }
0xea: {  	p0 =	sne.s32 s0, $0x0;
	s0 =	rddreg [dreg:$0x3]  }
0xeb: {  	s0 =	sadd.s32 @!p0 $0x100000, s0  }
0xec: {  	[sflag:s0] =	ssyncadd.tile.s32 @!p0 $0x1;
	_ =	shalt  }
.Lfunc_end2:
_tile_overlayer_lowered:
.L_overlay_start_2:
0xed: {  	(tag) =	ssettag $0x2  }
0xee: {  	s0 =	rddreg [dreg:$0x0];
	s2 =	stileid.u32  }
0xef: {  	s1 =	rddreg [dreg:$0x1];
	p0 =	sne.s32 s2, $0x0  }
0xf0: {  	s3 =	rddreg [dreg:$0x2];
	[bflag:$0x3] =	sbarrier.arrive $0xFFFF;
	s2 =	simm.s32 @!p0 $0x1C03  }
0xf1: {  	[timem:s3], [sflag:s2] =	dma.local @!p0 [hbm:s0], s1  }
0xf2: {  	s0 =	simm.s32 @!p0 $0x3  }
0xf3: {  	_ =	swait.ge @!p0 [sflag:s0], s1  }
0xf4: {  	s1 =	ssub.s32 @!p0 $0x0, s1;
	[sflag:s0] =	ssyncset.done @!p0 $0x0  }
0xf5: {  	[sflag:s0] =	ssyncadd.s32 @!p0 s1  }
0xf6: {  	[bflag:$0x3] =	sbarrier.arrive $0xFFFF  }
0xf7: {  	_ =	shalt  }

</sc_bundles>
